<compile_context>
chip_gen: v7x
topology: tpu7x:2x2x1
jax: 0.10.2.dev20260603
libtpu: 0.0.44.dev20260713+nightly
codegen_flags: <defaults>
</compile_context>

<pallas_src>
import functools
import jax
import jax.numpy as jnp
from jax import lax
from jax.experimental import pallas as pl
from jax.experimental.pallas import tpu as pltpu, tpu_sc as plsc

N = 15135
NP = 15360
NPH = NP // 2
E = 484320
EP = 491520
EPR = EP // 128
F_IN = 128
H = 64
HP = 128
HFC = 256
NC = 10
BS = 2

NB = 512
RB = NP // NB
CHUNK = 512
TROWS = NPH // 16

_SC_MESH = plsc.VectorSubcoreMesh(core_axis_name="c", subcore_axis_name="s")


@functools.partial(
    pl.kernel,
    out_type=jax.ShapeDtypeStruct((NP, HP), jnp.float32),
    mesh=_SC_MESH,
    scratch_types=[
        pltpu.VMEM((2, 128), jnp.int32),
        pltpu.VMEM((2, 128), jnp.int32),
        pltpu.VMEM((128,), jnp.int32),
        pltpu.VMEM((128,), jnp.int32),
        pltpu.VMEM((128,), jnp.int32),
        pltpu.VMEM((128,), jnp.int32),
        pltpu.VMEM((256, HP), jnp.float32),
        pltpu.VMEM((256, HP), jnp.float32),
        pltpu.VMEM_SHARED((NPH + 8, HP), jnp.float32),
        pltpu.SemaphoreType.DMA,
        pltpu.SemaphoreType.DMA,
    ],
)
def _sc_scatter(xs, src2, dst2c, out, sidxA, sidxB, didxA0, didxA1,
                didxB0, didxB1, rowsA, rowsB, acc, semA, semB):
    c = lax.axis_index("c")
    t = lax.axis_index("s")
    zero16 = jnp.zeros((16,), jnp.float32)

    def zfill(i, carry):
        for k in range(8):
            rowsA[i, pl.ds(k * 16, 16)] = zero16
        return carry

    lax.fori_loop(0, 240, zfill, 0)

    base = t * TROWS
    pltpu.sync_copy(rowsA.at[pl.ds(0, 240)], acc.at[pl.ds(base, 240)])
    pltpu.sync_copy(rowsA.at[pl.ds(0, 240)], acc.at[pl.ds(base + 240, 240)])
    plsc.subcore_barrier()

    sbase = t * 240
    dbase = c * EPR + t * 240

    def gather(rb, sidx, rows, sem):
        pltpu.sync_copy(src2.at[pl.ds(sbase + rb, 2)], sidx)
        pltpu.async_copy(xs.at[sidx.at[0]], rows.at[pl.ds(0, 128)], sem)
        pltpu.async_copy(xs.at[sidx.at[1]], rows.at[pl.ds(128, 128)], sem)

    def gwait(sidx, rows, sem):
        pltpu.make_async_copy(xs.at[sidx.at[0]],
                              rows.at[pl.ds(0, 128)], sem).wait()
        pltpu.make_async_copy(xs.at[sidx.at[1]],
                              rows.at[pl.ds(128, 128)], sem).wait()

    def scat(rows, d0, d1):
        pltpu.sync_copy(rows.at[pl.ds(0, 128)], acc.at[d0], add=True)
        pltpu.sync_copy(rows.at[pl.ds(128, 128)], acc.at[d1], add=True)

    gather(0, sidxA, rowsA, semA)

    def pair(i, start_next):
        rb = i * 4
        gather(rb + 2, sidxB, rowsB, semB)
        pltpu.sync_copy(dst2c.at[dbase + rb], didxA0)
        pltpu.sync_copy(dst2c.at[dbase + rb + 1], didxA1)
        gwait(sidxA, rowsA, semA)
        scat(rowsA, didxA0, didxA1)
        if start_next:
            gather(rb + 4, sidxA, rowsA, semA)
        pltpu.sync_copy(dst2c.at[dbase + rb + 2], didxB0)
        pltpu.sync_copy(dst2c.at[dbase + rb + 3], didxB1)
        gwait(sidxB, rowsB, semB)
        scat(rowsB, didxB0, didxB1)

    def body(i, carry):
        pair(i, True)
        return carry

    lax.fori_loop(0, 59, body, 0)
    pair(59, False)
    plsc.subcore_barrier()

    for q in range(2):
        sl = pl.ds(base + q * 240, 240)
        pltpu.sync_copy(acc.at[sl], rowsA.at[pl.ds(0, 240)])
        pltpu.sync_copy(rowsA.at[pl.ds(0, 240)],
                        out.at[pl.ds(c * NPH + base + q * 240, 240)])


def _t1_body(xp_ref, s_ref, w1_ref, xs1_ref, dinv_ref):
    dinvb = lax.rsqrt(s_ref[...] + 1.0)
    xw = jnp.dot(xp_ref[...], w1_ref[...], preferred_element_type=jnp.float32)
    xs1_ref[...] = dinvb * xw
    dinv_ref[...] = dinvb


def _t1(xp, s0, w1b):
    return pl.pallas_call(
        _t1_body,
        grid=(RB,),
        in_specs=[
            pl.BlockSpec((NB, 2 * F_IN), lambda r: (r, 0)),
            pl.BlockSpec((NB, HP), lambda r: (r, 0)),
            pl.BlockSpec((2 * F_IN, HP), lambda r: (0, 0)),
        ],
        out_specs=[
            pl.BlockSpec((NB, HP), lambda r: (r, 0)),
            pl.BlockSpec((NB, HP), lambda r: (r, 0)),
        ],
        out_shape=[
            jax.ShapeDtypeStruct((NP, HP), jnp.float32),
            jax.ShapeDtypeStruct((NP, HP), jnp.float32),
        ],
    )(xp, s0, w1b)


def _t2_body(xs_ref, s_ref, dinv_ref, b_ref, w_ref, xl_ref, xsn_ref):
    xl = jnp.maximum(dinv_ref[...] * (xs_ref[...] + s_ref[...]) + b_ref[...], 0.0)
    xl_ref[...] = xl
    xw = jnp.dot(xl, w_ref[...], preferred_element_type=jnp.float32)
    xsn_ref[...] = dinv_ref[...] * xw


def _t2(xs, s, dinvb, b, w):
    return pl.pallas_call(
        _t2_body,
        grid=(RB,),
        in_specs=[
            pl.BlockSpec((NB, HP), lambda r: (r, 0)),
            pl.BlockSpec((NB, HP), lambda r: (r, 0)),
            pl.BlockSpec((NB, HP), lambda r: (r, 0)),
            pl.BlockSpec((1, HP), lambda r: (0, 0)),
            pl.BlockSpec((HP, HP), lambda r: (0, 0)),
        ],
        out_specs=[
            pl.BlockSpec((NB, HP), lambda r: (r, 0)),
            pl.BlockSpec((NB, HP), lambda r: (r, 0)),
        ],
        out_shape=[
            jax.ShapeDtypeStruct((NP, HP), jnp.float32),
            jax.ShapeDtypeStruct((NP, HP), jnp.float32),
        ],
    )(xs, s, dinvb, b, w)


def _t5_body(x1_ref, x2_ref, x3_ref, m1_ref, m2_ref, m3_ref, fcb_ref,
             l1_ref, out_ref, acc_ref):
    r = pl.program_id(0)

    @pl.when(r == 0)
    def _():
        acc_ref[...] = jnp.zeros((8, HFC), jnp.float32)

    h = (jnp.dot(x1_ref[...], m1_ref[...], preferred_element_type=jnp.float32)
         + jnp.dot(x2_ref[...], m2_ref[...], preferred_element_type=jnp.float32)
         + jnp.dot(x3_ref[...], m3_ref[...], preferred_element_type=jnp.float32)
         + fcb_ref[0, 0])
    acc_ref[...] += lax.dot_general(h, l1_ref[...], (((0,), (0,)), ((), ())),
                                    preferred_element_type=jnp.float32)

    @pl.when(r == RB - 1)
    def _():
        out_ref[...] = acc_ref[...]


def _t5(x1, x2, x3, m1, m2, m3, fcb, lin1p):
    return pl.pallas_call(
        _t5_body,
        grid=(RB,),
        in_specs=[
            pl.BlockSpec((NB, HP), lambda r: (r, 0)),
            pl.BlockSpec((NB, HP), lambda r: (r, 0)),
            pl.BlockSpec((NB, HP), lambda r: (r, 0)),
            pl.BlockSpec((HP, 8), lambda r: (0, 0)),
            pl.BlockSpec((HP, 8), lambda r: (0, 0)),
            pl.BlockSpec((HP, 8), lambda r: (0, 0)),
            pl.BlockSpec((1, 1), lambda r: (0, 0)),
            pl.BlockSpec((NB, HFC), lambda r: (r, 0)),
        ],
        out_specs=pl.BlockSpec((8, HFC), lambda r: (0, 0)),
        out_shape=jax.ShapeDtypeStruct((8, HFC), jnp.float32),
        scratch_shapes=[pltpu.VMEM((8, HFC), jnp.float32)],
    )(x1, x2, x3, m1, m2, m3, fcb, lin1p)


def _t6_body(hp_ref, l1b_ref, l2_ref, l2b_ref, out_ref):
    z = jnp.maximum(hp_ref[0:BS, :] + l1b_ref[...], 0.0)
    logits = jnp.dot(z, l2_ref[...], preferred_element_type=jnp.float32)
    logits = logits + l2b_ref[...]
    m = jnp.max(logits, axis=-1, keepdims=True)
    s = logits - m
    out_ref[...] = s - jnp.log(jnp.sum(jnp.exp(s), axis=-1, keepdims=True))


def _t6(hp, l1b, l2, l2b):
    return pl.pallas_call(
        _t6_body,
        out_shape=jax.ShapeDtypeStruct((BS, NC), jnp.float32),
    )(hp, l1b, l2, l2b)


def _blockdiag(w, r, cdim):
    out = jnp.zeros((2 * r, 2 * cdim), w.dtype)
    out = lax.dynamic_update_slice(out, w, (0, 0))
    return lax.dynamic_update_slice(out, w, (r, cdim))


def kernel(x, batch, edge_index, W1, b1, W2, b2, W3, b3, fc_w, fc_b,
           lin1_w, lin1_b, lin2_w, lin2_b):
    xpad = jnp.pad(x, ((0, 0), (0, NP - N), (0, 0)))
    xp = jnp.concatenate([xpad[0], xpad[1]], axis=1)
    pad = jnp.full((EP - E,), NP - 1, dtype=jnp.int32)
    src2 = jnp.concatenate([edge_index[0], pad]).reshape(EPR, 128)
    dst = jnp.concatenate([edge_index[1], pad])
    d0 = jnp.where(dst < NPH, dst, NPH)
    d1m = dst - NPH
    d1 = jnp.where(d1m >= 0, d1m, NPH)
    dst2c = jnp.concatenate([d0, d1]).reshape(2 * EPR, 128)

    W1b = _blockdiag(W1, F_IN, H)
    Ws = jnp.stack([_blockdiag(W2, H, H), _blockdiag(W2, H, H),
                    _blockdiag(W3, H, H), _blockdiag(W3, H, H)])
    bs = jnp.stack([jnp.concatenate([b1, b1]), jnp.concatenate([b1, b1]),
                    jnp.concatenate([b2, b2]),
                    jnp.concatenate([b3, b3])]).reshape(4, 1, HP)
    ks = jnp.arange(4)

    def step(carry, inp):
        xs, dinvb = carry
        w, b, k = inp
        s = _sc_scatter(xs, src2, dst2c)

        def deg_branch(_):
            xs1, dv = _t1(xp, s, W1b)
            return xs1, dv, dv

        def layer_branch(_):
            xl, xsn = _t2(xs, s, dinvb, b, w)
            return xsn, dinvb, xl

        xsn, dvn, xl = lax.cond(k == 0, deg_branch, layer_branch, 0)
        return (xsn, dvn), xl

    ones_xs = jnp.ones((NP, HP), jnp.float32)
    _, xls = lax.scan(step, (ones_xs, ones_xs), (Ws, bs, ks))

    wt = fc_w.reshape(H, 3)
    m8 = jnp.zeros((3, HP, 8), jnp.float32)
    m8 = m8.at[:, :H, 0].set(wt.T)
    m8 = m8.at[:, H:, 1].set(wt.T)

    lin1p = jnp.pad(lin1_w, ((0, NP - N), (0, 0)))
    hp8 = _t5(xls[1], xls[2], xls[3], m8[0], m8[1], m8[2],
              fc_b.reshape(1, 1), lin1p)
    return _t6(hp8, lin1_b.reshape(1, HFC), lin2_w, lin2_b.reshape(1, NC))

# --- scband reference (transcript-rebuilt; emitter-appended) ---
"""Pipeline reference for scband-gcnmodel-89541478187035 (READ-ONLY COPY).

The authoritative reference and input builder live on the scoring server;
editing this copy changes nothing except your own understanding.
"""

import jax, jax.numpy as jnp
import numpy as np

N = 15135
E = 484320
BS = 2
F_IN = 128
H = 64
HFC = 256
NC = 10


def setup_inputs(seed: int = 0):
    key = jax.random.key(seed)
    ks = jax.random.split(key, 16)
    x = jax.random.normal(ks[0], (BS, N, F_IN), dtype=jnp.float32)
    batch = jnp.zeros((BS,), dtype=jnp.int32)
    edge_index = jax.random.randint(ks[1], (2, E), 0, N, dtype=jnp.int32)
    W1 = jax.random.normal(ks[2], (F_IN, H), dtype=jnp.float32) * (1.0 / np.sqrt(F_IN))
    b1 = jnp.zeros((H,), dtype=jnp.float32)
    W2 = jax.random.normal(ks[3], (H, H), dtype=jnp.float32) * (1.0 / np.sqrt(H))
    b2 = jnp.zeros((H,), dtype=jnp.float32)
    W3 = jax.random.normal(ks[4], (H, H), dtype=jnp.float32) * (1.0 / np.sqrt(H))
    b3 = jnp.zeros((H,), dtype=jnp.float32)
    fc_w = jax.random.normal(ks[5], (3 * H, 1), dtype=jnp.float32) * (1.0 / np.sqrt(3 * H))
    fc_b = jnp.zeros((1,), dtype=jnp.float32)
    lin1_w = jax.random.normal(ks[6], (N, HFC), dtype=jnp.float32) * (1.0 / np.sqrt(N))
    lin1_b = jnp.zeros((HFC,), dtype=jnp.float32)
    lin2_w = jax.random.normal(ks[7], (HFC, NC), dtype=jnp.float32) * (1.0 / np.sqrt(HFC))
    lin2_b = jnp.zeros((NC,), dtype=jnp.float32)
    return {"x": x, "batch": batch, "edge_index": edge_index, "W1": W1, "b1": b1,
            "W2": W2, "b2": b2, "W3": W3, "b3": b3, "fc_w": fc_w, "fc_b": fc_b,
            "lin1_w": lin1_w, "lin1_b": lin1_b, "lin2_w": lin2_w, "lin2_b": lin2_b}


def _gcn_conv(x, W, b, src, dst, norm):
    # x: [BS, N, F_in] -> [BS, N, F_out]; GCNConv: aggregate(norm * (xW)[src]) at dst, then + bias
    xw = x @ W
    msg = xw[:, src, :] * norm[None, :, None]
    out = jnp.zeros(xw.shape, xw.dtype).at[:, dst, :].add(msg)
    return out + b


def reference(x, batch, edge_index, W1, b1, W2, b2, W3, b3, fc_w, fc_b, lin1_w, lin1_b, lin2_w, lin2_b):
    bs, n = x.shape[0], x.shape[1]
    loops = jnp.arange(n, dtype=edge_index.dtype)
    src = jnp.concatenate([edge_index[0], loops])
    dst = jnp.concatenate([edge_index[1], loops])
    # symmetric gcn_norm with self-loops (edge_weight = 1)
    deg = jnp.zeros((n,), jnp.float32).at[dst].add(1.0)
    dinv = jnp.where(deg > 0, 1.0 / jnp.sqrt(deg), 0.0)
    norm = dinv[src] * dinv[dst]
    x1 = jax.nn.relu(_gcn_conv(x, W1, b1, src, dst, norm))
    x2 = jax.nn.relu(_gcn_conv(x1, W2, b2, src, dst, norm))
    x3 = jax.nn.relu(_gcn_conv(x2, W3, b3, src, dst, norm))
    # mode == 'cat': torch.stack(xs, -1).view(bs, n, -1)
    xc = jnp.stack([x1, x2, x3], axis=-1).reshape(bs, n, -1)
    h = (xc @ fc_w + fc_b).reshape(bs, n)
    # do_layers == 1: dropout only after lin1 (eval mode -> identity)
    h = jax.nn.relu(h @ lin1_w + lin1_b)
    h = h @ lin2_w + lin2_b
    return jax.nn.log_softmax(h, axis=-1)

if __name__ == "__main__":
    import jax
    _d = setup_inputs()
    print(jax.jit(kernel)(*tuple(_d.values())))

</pallas_src>

<mosaic_0001>
#map = affine_map<(d0, d1) -> (0, 0)>
module attributes {stable_mosaic.version = 14 : i64} {
  func.func @_sc_scatter(%arg0: i32, %arg1: i32, %arg2: memref<15360x128xf32, #tpu.memory_space<hbm>>, %arg3: memref<3840x128xi32, #tpu.memory_space<hbm>>, %arg4: memref<7680x128xi32, #tpu.memory_space<hbm>>, %arg5: memref<15360x128xf32, #tpu.memory_space<hbm>>, %arg6: memref<2x128xi32, #tpu.memory_space<vmem>>, %arg7: memref<2x128xi32, #tpu.memory_space<vmem>>, %arg8: memref<128xi32, #tpu.memory_space<vmem>>, %arg9: memref<128xi32, #tpu.memory_space<vmem>>, %arg10: memref<128xi32, #tpu.memory_space<vmem>>, %arg11: memref<128xi32, #tpu.memory_space<vmem>>, %arg12: memref<256x128xf32, #tpu.memory_space<vmem>>, %arg13: memref<256x128xf32, #tpu.memory_space<vmem>>, %arg14: memref<7688x128xf32, #tpu.memory_space<vmem_shared>>, %arg15: memref<!tpu.dma_semaphore, #tpu.memory_space<semaphore_mem>>, %arg16: memref<!tpu.dma_semaphore, #tpu.memory_space<semaphore_mem>>) attributes {dimension_semantics = [#tpu.dimension_semantics<core_parallel>, #tpu.dimension_semantics<subcore_parallel>], iteration_bounds = array<i64: 2, 16>, scalar_prefetch = 0 : i64, scratch_operands = 11 : i64, tpu.core_type = #tpu.core_type<sc_vector_subcore>, window_params = [{transform_indices = #map}, {transform_indices = #map}, {transform_indices = #map}, {transform_indices = #map}]} {
    %broadcast_in_dim3A = arith.constant 0.000000e+00 : f32
    %broadcast_in_dim3A_0 = vector.broadcast %broadcast_in_dim3A : f32 to vector<16xf32>
    %scan3A = arith.constant 0 : i32
    %scan3A_1 = arith.constant 0 : i32
    %scan3A_2 = arith.constant 240 : i32
    %scan3A_3 = arith.addi %scan3A_1, %scan3A_2 : i32
    %scan3A_4 = arith.constant 1 : i32
    scf.for %scan3A_132 = %scan3A_1 to %scan3A_3 step %scan3A_4  : i32 {
      %swap3A = arith.index_cast %scan3A_132 : i32 to index
      %swap3A_133 = arith.constant 0 : index
      %swap3A_134 = tpu.vector_load %arg12[%swap3A, %swap3A_133] {strides = array<i32>} : memref<256x128xf32, #tpu.memory_space<vmem>>, vector<1x16xf32>,
      %swap3A_135 = vector.shape_cast %swap3A_134 : vector<1x16xf32> to vector<16xf32>
      %swap3A_136 = vector.shape_cast %broadcast_in_dim3A_0 : vector<16xf32> to vector<1x16xf32>
      tpu.vector_store %arg12[%swap3A, %swap3A_133], %swap3A_136 {strides = array<i32>} : memref<256x128xf32, #tpu.memory_space<vmem>>, vector<1x16xf32>,
      %swap3A_137 = arith.index_cast %scan3A_132 : i32 to index
      %swap3A_138 = arith.constant 16 : index
      %swap3A_139 = tpu.vector_load %arg12[%swap3A_137, %swap3A_138] {strides = array<i32>} : memref<256x128xf32, #tpu.memory_space<vmem>>, vector<1x16xf32>,
      %swap3A_140 = vector.shape_cast %swap3A_139 : vector<1x16xf32> to vector<16xf32>
      %swap3A_141 = vector.shape_cast %broadcast_in_dim3A_0 : vector<16xf32> to vector<1x16xf32>
      tpu.vector_store %arg12[%swap3A_137, %swap3A_138], %swap3A_141 {strides = array<i32>} : memref<256x128xf32, #tpu.memory_space<vmem>>, vector<1x16xf32>,
      %swap3A_142 = arith.index_cast %scan3A_132 : i32 to index
      %swap3A_143 = arith.constant 32 : index
      %swap3A_144 = tpu.vector_load %arg12[%swap3A_142, %swap3A_143] {strides = array<i32>} : memref<256x128xf32, #tpu.memory_space<vmem>>, vector<1x16xf32>,
      %swap3A_145 = vector.shape_cast %swap3A_144 : vector<1x16xf32> to vector<16xf32>
      %swap3A_146 = vector.shape_cast %broadcast_in_dim3A_0 : vector<16xf32> to vector<1x16xf32>
      tpu.vector_store %arg12[%swap3A_142, %swap3A_143], %swap3A_146 {strides = array<i32>} : memref<256x128xf32, #tpu.memory_space<vmem>>, vector<1x16xf32>,
      %swap3A_147 = arith.index_cast %scan3A_132 : i32 to index
      %swap3A_148 = arith.constant 48 : index
      %swap3A_149 = tpu.vector_load %arg12[%swap3A_147, %swap3A_148] {strides = array<i32>} : memref<256x128xf32, #tpu.memory_space<vmem>>, vector<1x16xf32>,
      %swap3A_150 = vector.shape_cast %swap3A_149 : vector<1x16xf32> to vector<16xf32>
      %swap3A_151 = vector.shape_cast %broadcast_in_dim3A_0 : vector<16xf32> to vector<1x16xf32>
      tpu.vector_store %arg12[%swap3A_147, %swap3A_148], %swap3A_151 {strides = array<i32>} : memref<256x128xf32, #tpu.memory_space<vmem>>, vector<1x16xf32>,
      %swap3A_152 = arith.index_cast %scan3A_132 : i32 to index
      %swap3A_153 = arith.constant 64 : index
      %swap3A_154 = tpu.vector_load %arg12[%swap3A_152, %swap3A_153] {strides = array<i32>} : memref<256x128xf32, #tpu.memory_space<vmem>>, vector<1x16xf32>,
      %swap3A_155 = vector.shape_cast %swap3A_154 : vector<1x16xf32> to vector<16xf32>
      %swap3A_156 = vector.shape_cast %broadcast_in_dim3A_0 : vector<16xf32> to vector<1x16xf32>
      tpu.vector_store %arg12[%swap3A_152, %swap3A_153], %swap3A_156 {strides = array<i32>} : memref<256x128xf32, #tpu.memory_space<vmem>>, vector<1x16xf32>,
      %swap3A_157 = arith.index_cast %scan3A_132 : i32 to index
      %swap3A_158 = arith.constant 80 : index
      %swap3A_159 = tpu.vector_load %arg12[%swap3A_157, %swap3A_158] {strides = array<i32>} : memref<256x128xf32, #tpu.memory_space<vmem>>, vector<1x16xf32>,
      %swap3A_160 = vector.shape_cast %swap3A_159 : vector<1x16xf32> to vector<16xf32>
      %swap3A_161 = vector.shape_cast %broadcast_in_dim3A_0 : vector<16xf32> to vector<1x16xf32>
      tpu.vector_store %arg12[%swap3A_157, %swap3A_158], %swap3A_161 {strides = array<i32>} : memref<256x128xf32, #tpu.memory_space<vmem>>, vector<1x16xf32>,
      %swap3A_162 = arith.index_cast %scan3A_132 : i32 to index
      %swap3A_163 = arith.constant 96 : index
      %swap3A_164 = tpu.vector_load %arg12[%swap3A_162, %swap3A_163] {strides = array<i32>} : memref<256x128xf32, #tpu.memory_space<vmem>>, vector<1x16xf32>,
      %swap3A_165 = vector.shape_cast %swap3A_164 : vector<1x16xf32> to vector<16xf32>
      %swap3A_166 = vector.shape_cast %broadcast_in_dim3A_0 : vector<16xf32> to vector<1x16xf32>
      tpu.vector_store %arg12[%swap3A_162, %swap3A_163], %swap3A_166 {strides = array<i32>} : memref<256x128xf32, #tpu.memory_space<vmem>>, vector<1x16xf32>,
      %swap3A_167 = arith.index_cast %scan3A_132 : i32 to index
      %swap3A_168 = arith.constant 112 : index
      %swap3A_169 = tpu.vector_load %arg12[%swap3A_167, %swap3A_168] {strides = array<i32>} : memref<256x128xf32, #tpu.memory_space<vmem>>, vector<1x16xf32>,
      %swap3A_170 = vector.shape_cast %swap3A_169 : vector<1x16xf32> to vector<16xf32>
      %swap3A_171 = vector.shape_cast %broadcast_in_dim3A_0 : vector<16xf32> to vector<1x16xf32>
      tpu.vector_store %arg12[%swap3A_167, %swap3A_168], %swap3A_171 {strides = array<i32>} : memref<256x128xf32, #tpu.memory_space<vmem>>, vector<1x16xf32>,
    }
    %scan3A_5 = arith.constant 240 : i32
    %mul3A = arith.constant 480 : i32
    %mul3A_6 = arith.muli %arg1, %mul3A : i32
    "tpu.region"() ({
      %run_scoped3A = tpu.sem_alloc : memref<!tpu.dma_semaphore, #tpu.memory_space<semaphore_mem>>
      %dma_start3A_132 = arith.constant 0 : i32
      %dma_start3A_133 = arith.constant 0 : i32
      %dma_start3A_134 = tpu.memref_slice %arg12[%dma_start3A_132, %dma_start3A_133] : memref<256x128xf32, #tpu.memory_space<vmem>> -> memref<240x128xf32, #tpu.memory_space<vmem>>
      %dma_start3A_135 = arith.constant 0 : i32
      %dma_start3A_136 = tpu.memref_slice %arg14[%mul3A_6, %dma_start3A_135] : memref<7688x128xf32, #tpu.memory_space<vmem_shared>> -> memref<240x128xf32, #tpu.memory_space<vmem_shared>>
      %dma_start3A_137 = arith.constant 0 : i32
      %dma_start3A_138 = tpu.memref_slice %arg14[%mul3A_6, %dma_start3A_137] : memref<7688x128xf32, #tpu.memory_space<vmem_shared>> -> memref<240x128xf32, #tpu.memory_space<vmem_shared>>
      %dma_start3A_139 = arith.constant 0 : i32
      %dma_start3A_140 = arith.constant 0 : i32
      %dma_start3A_141 = tpu.memref_slice %arg12[%dma_start3A_139, %dma_start3A_140] : memref<256x128xf32, #tpu.memory_space<vmem>> -> memref<240x128xf32, #tpu.memory_space<vmem>>
      tpu.enqueue_dma source(%dma_start3A_141 : memref<240x128xf32, #tpu.memory_space<vmem>>) target(%dma_start3A_138 : memref<240x128xf32, #tpu.memory_space<vmem_shared>>) target_semaphore(%run_scoped3A : memref<!tpu.dma_semaphore, #tpu.memory_space<semaphore_mem>>)
      %dma_wait3A_142 = arith.constant 0 : i32
      %dma_wait3A_143 = arith.constant 0 : i32
      %dma_wait3A_144 = tpu.memref_slice %arg12[%dma_wait3A_142, %dma_wait3A_143] : memref<256x128xf32, #tpu.memory_space<vmem>> -> memref<240x128xf32, #tpu.memory_space<vmem>>
      %dma_wait3A_145 = arith.constant 0 : i32
      %dma_wait3A_146 = tpu.memref_slice %arg14[%mul3A_6, %dma_wait3A_145] : memref<7688x128xf32, #tpu.memory_space<vmem_shared>> -> memref<240x128xf32, #tpu.memory_space<vmem_shared>>
      %dma_wait3A_147 = arith.constant 0 : i32
      %dma_wait3A_148 = tpu.memref_slice %arg14[%mul3A_6, %dma_wait3A_147] : memref<7688x128xf32, #tpu.memory_space<vmem_shared>> -> memref<240x128xf32, #tpu.memory_space<vmem_shared>>
      %dma_wait3A_149 = arith.constant 0 : i32
      %dma_wait3A_150 = arith.constant 0 : i32
      %dma_wait3A_151 = tpu.memref_slice %arg12[%dma_wait3A_149, %dma_wait3A_150] : memref<256x128xf32, #tpu.memory_space<vmem>> -> memref<240x128xf32, #tpu.memory_space<vmem>>
      tpu.wait_dma2 semaphore(%run_scoped3A : memref<!tpu.dma_semaphore, #tpu.memory_space<semaphore_mem>>) src(%dma_wait3A_151 : memref<240x128xf32, #tpu.memory_space<vmem>>) dst(%dma_wait3A_148 : memref<240x128xf32, #tpu.memory_space<vmem_shared>>)
      tpu.yield
    }) : () -> ()
    %add3A = arith.constant 240 : i32
    %add3A_7 = arith.addi %mul3A_6, %add3A : i32
    "tpu.region"() ({
      %run_scoped3A = tpu.sem_alloc : memref<!tpu.dma_semaphore, #tpu.memory_space<semaphore_mem>>
      %dma_start3A_132 = arith.constant 0 : i32
      %dma_start3A_133 = arith.constant 0 : i32
      %dma_start3A_134 = tpu.memref_slice %arg12[%dma_start3A_132, %dma_start3A_133] : memref<256x128xf32, #tpu.memory_space<vmem>> -> memref<240x128xf32, #tpu.memory_space<vmem>>
      %dma_start3A_135 = arith.constant 0 : i32
      %dma_start3A_136 = tpu.memref_slice %arg14[%add3A_7, %dma_start3A_135] : memref<7688x128xf32, #tpu.memory_space<vmem_shared>> -> memref<240x128xf32, #tpu.memory_space<vmem_shared>>
      %dma_start3A_137 = arith.constant 0 : i32
      %dma_start3A_138 = tpu.memref_slice %arg14[%add3A_7, %dma_start3A_137] : memref<7688x128xf32, #tpu.memory_space<vmem_shared>> -> memref<240x128xf32, #tpu.memory_space<vmem_shared>>
      %dma_start3A_139 = arith.constant 0 : i32
      %dma_start3A_140 = arith.constant 0 : i32
      %dma_start3A_141 = tpu.memref_slice %arg12[%dma_start3A_139, %dma_start3A_140] : memref<256x128xf32, #tpu.memory_space<vmem>> -> memref<240x128xf32, #tpu.memory_space<vmem>>
      tpu.enqueue_dma source(%dma_start3A_141 : memref<240x128xf32, #tpu.memory_space<vmem>>) target(%dma_start3A_138 : memref<240x128xf32, #tpu.memory_space<vmem_shared>>) target_semaphore(%run_scoped3A : memref<!tpu.dma_semaphore, #tpu.memory_space<semaphore_mem>>)
      %dma_wait3A_142 = arith.constant 0 : i32
      %dma_wait3A_143 = arith.constant 0 : i32
      %dma_wait3A_144 = tpu.memref_slice %arg12[%dma_wait3A_142, %dma_wait3A_143] : memref<256x128xf32, #tpu.memory_space<vmem>> -> memref<240x128xf32, #tpu.memory_space<vmem>>
      %dma_wait3A_145 = arith.constant 0 : i32
      %dma_wait3A_146 = tpu.memref_slice %arg14[%add3A_7, %dma_wait3A_145] : memref<7688x128xf32, #tpu.memory_space<vmem_shared>> -> memref<240x128xf32, #tpu.memory_space<vmem_shared>>
      %dma_wait3A_147 = arith.constant 0 : i32
      %dma_wait3A_148 = tpu.memref_slice %arg14[%add3A_7, %dma_wait3A_147] : memref<7688x128xf32, #tpu.memory_space<vmem_shared>> -> memref<240x128xf32, #tpu.memory_space<vmem_shared>>
      %dma_wait3A_149 = arith.constant 0 : i32
      %dma_wait3A_150 = arith.constant 0 : i32
      %dma_wait3A_151 = tpu.memref_slice %arg12[%dma_wait3A_149, %dma_wait3A_150] : memref<256x128xf32, #tpu.memory_space<vmem>> -> memref<240x128xf32, #tpu.memory_space<vmem>>
      tpu.wait_dma2 semaphore(%run_scoped3A : memref<!tpu.dma_semaphore, #tpu.memory_space<semaphore_mem>>) src(%dma_wait3A_151 : memref<240x128xf32, #tpu.memory_space<vmem>>) dst(%dma_wait3A_148 : memref<240x128xf32, #tpu.memory_space<vmem_shared>>)
      tpu.yield
    }) : () -> ()
    %barrier3A = arith.constant 0 : index
    tpu.barrier barrier_id(%barrier3A)
    %mul3A_8 = arith.constant 240 : i32
    %mul3A_9 = arith.muli %arg1, %mul3A_8 : i32
    %mul3A_10 = arith.constant 3840 : i32
    %mul3A_11 = arith.muli %arg0, %mul3A_10 : i32
    %mul3A_12 = arith.constant 240 : i32
    %mul3A_13 = arith.muli %arg1, %mul3A_12 : i32
    %add3A_14 = arith.addi %mul3A_11, %mul3A_13 : i32
    %add3A_15 = arith.constant 0 : i32
    %add3A_16 = arith.addi %mul3A_9, %add3A_15 : i32
    "tpu.region"() ({
      %run_scoped3A = tpu.sem_alloc : memref<!tpu.dma_semaphore, #tpu.memory_space<semaphore_mem>>
      %dma_start3A_132 = arith.constant 0 : i32
      %dma_start3A_133 = tpu.memref_slice %arg3[%add3A_16, %dma_start3A_132] : memref<3840x128xi32, #tpu.memory_space<hbm>> -> memref<2x128xi32, #tpu.memory_space<hbm>>
      %dma_start3A_134 = arith.constant 0 : i32
      %dma_start3A_135 = tpu.memref_slice %arg3[%add3A_16, %dma_start3A_134] : memref<3840x128xi32, #tpu.memory_space<hbm>> -> memref<2x128xi32, #tpu.memory_space<hbm>>
      tpu.enqueue_dma source(%dma_start3A_135 : memref<2x128xi32, #tpu.memory_space<hbm>>) target(%arg6 : memref<2x128xi32, #tpu.memory_space<vmem>>) target_semaphore(%run_scoped3A : memref<!tpu.dma_semaphore, #tpu.memory_space<semaphore_mem>>)
      %dma_wait3A_136 = arith.constant 0 : i32
      %dma_wait3A_137 = tpu.memref_slice %arg3[%add3A_16, %dma_wait3A_136] : memref<3840x128xi32, #tpu.memory_space<hbm>> -> memref<2x128xi32, #tpu.memory_space<hbm>>
      %dma_wait3A_138 = arith.constant 0 : i32
      %dma_wait3A_139 = tpu.memref_slice %arg3[%add3A_16, %dma_wait3A_138] : memref<3840x128xi32, #tpu.memory_space<hbm>> -> memref<2x128xi32, #tpu.memory_space<hbm>>
      tpu.wait_dma2 semaphore(%run_scoped3A : memref<!tpu.dma_semaphore, #tpu.memory_space<semaphore_mem>>) src(%dma_wait3A_139 : memref<2x128xi32, #tpu.memory_space<hbm>>) dst(%arg6 : memref<2x128xi32, #tpu.memory_space<vmem>>)
      tpu.yield
    }) : () -> ()
    %dma_start3A = arith.constant 0 : i32
    %dma_start3A_17 = arith.constant 0 : i32
    %dma_start3A_18 = arith.constant 0 : i32
    %dma_start3A_19 = tpu.memref_slice %arg12[%dma_start3A_17, %dma_start3A_18] : memref<256x128xf32, #tpu.memory_space<vmem>> -> memref<128x128xf32, #tpu.memory_space<vmem>>
    %dma_start3A_20 = arith.constant 0 : i32
    %dma_start3A_21 = tpu.memref_slice %arg6[%dma_start3A, %dma_start3A_20] : memref<2x128xi32, #tpu.memory_space<vmem>> -> memref<1x128xi32, #tpu.memory_space<vmem>>
    %dma_start3A_22 = tpu.memref_squeeze %dma_start3A_21 : memref<1x128xi32, #tpu.memory_space<vmem>> -> memref<128xi32, #tpu.memory_space<vmem>>
    %dma_start3A_23 = arith.constant 0 : i32
    %dma_start3A_24 = arith.constant 0 : i32
    %dma_start3A_25 = tpu.memref_slice %arg2[%dma_start3A_23, %dma_start3A_24] : memref<15360x128xf32, #tpu.memory_space<hbm>> -> memref<15360x128xf32, #tpu.memory_space<hbm>>
    tpu.enqueue_indirect_dma source(%dma_start3A_25 : memref<15360x128xf32, #tpu.memory_space<hbm>>) target(%dma_start3A_19 : memref<128x128xf32, #tpu.memory_space<vmem>>) offsets(%dma_start3A_22 : memref<128xi32, #tpu.memory_space<vmem>>) semaphore(%arg15 : memref<!tpu.dma_semaphore, #tpu.memory_space<semaphore_mem>>)
    %dma_start3A_26 = arith.constant 1 : i32
    %dma_start3A_27 = arith.constant 128 : i32
    %dma_start3A_28 = arith.constant 0 : i32
    %dma_start3A_29 = tpu.memref_slice %arg12[%dma_start3A_27, %dma_start3A_28] : memref<256x128xf32, #tpu.memory_space<vmem>> -> memref<128x128xf32, #tpu.memory_space<vmem>>
    %dma_start3A_30 = arith.constant 0 : i32
    %dma_start3A_31 = tpu.memref_slice %arg6[%dma_start3A_26, %dma_start3A_30] : memref<2x128xi32, #tpu.memory_space<vmem>> -> memref<1x128xi32, #tpu.memory_space<vmem>>
    %dma_start3A_32 = tpu.memref_squeeze %dma_start3A_31 : memref<1x128xi32, #tpu.memory_space<vmem>> -> memref<128xi32, #tpu.memory_space<vmem>>
    %dma_start3A_33 = arith.constant 0 : i32
    %dma_start3A_34 = arith.constant 0 : i32
    %dma_start3A_35 = tpu.memref_slice %arg2[%dma_start3A_33, %dma_start3A_34] : memref<15360x128xf32, #tpu.memory_space<hbm>> -> memref<15360x128xf32, #tpu.memory_space<hbm>>
    tpu.enqueue_indirect_dma source(%dma_start3A_35 : memref<15360x128xf32, #tpu.memory_space<hbm>>) target(%dma_start3A_29 : memref<128x128xf32, #tpu.memory_space<vmem>>) offsets(%dma_start3A_32 : memref<128xi32, #tpu.memory_space<vmem>>) semaphore(%arg15 : memref<!tpu.dma_semaphore, #tpu.memory_space<semaphore_mem>>)
    %scan3A_36 = arith.constant 0 : i32
    %scan3A_37 = arith.constant 0 : i32
    %scan3A_38 = arith.constant 59 : i32
    %scan3A_39 = arith.addi %scan3A_37, %scan3A_38 : i32
    %scan3A_40 = arith.constant 1 : i32
    scf.for %scan3A_132 = %scan3A_37 to %scan3A_39 step %scan3A_40  : i32 {
      %mul3A_133 = arith.constant 4 : i32
      %mul3A_134 = arith.muli %scan3A_132, %mul3A_133 : i32
      %add3A_135 = arith.constant 2 : i32
      %add3A_136 = arith.addi %mul3A_134, %add3A_135 : i32
      %add3A_137 = arith.addi %mul3A_9, %add3A_136 : i32
      "tpu.region"() ({
        %run_scoped3A = tpu.sem_alloc : memref<!tpu.dma_semaphore, #tpu.memory_space<semaphore_mem>>
        %dma_start3A_231 = arith.constant 0 : i32
        %dma_start3A_232 = tpu.memref_slice %arg3[%add3A_137, %dma_start3A_231] : memref<3840x128xi32, #tpu.memory_space<hbm>> -> memref<2x128xi32, #tpu.memory_space<hbm>>
        %dma_start3A_233 = arith.constant 0 : i32
        %dma_start3A_234 = tpu.memref_slice %arg3[%add3A_137, %dma_start3A_233] : memref<3840x128xi32, #tpu.memory_space<hbm>> -> memref<2x128xi32, #tpu.memory_space<hbm>>
        tpu.enqueue_dma source(%dma_start3A_234 : memref<2x128xi32, #tpu.memory_space<hbm>>) target(%arg7 : memref<2x128xi32, #tpu.memory_space<vmem>>) target_semaphore(%run_scoped3A : memref<!tpu.dma_semaphore, #tpu.memory_space<semaphore_mem>>)
        %dma_wait3A_235 = arith.constant 0 : i32
        %dma_wait3A_236 = tpu.memref_slice %arg3[%add3A_137, %dma_wait3A_235] : memref<3840x128xi32, #tpu.memory_space<hbm>> -> memref<2x128xi32, #tpu.memory_space<hbm>>
        %dma_wait3A_237 = arith.constant 0 : i32
        %dma_wait3A_238 = tpu.memref_slice %arg3[%add3A_137, %dma_wait3A_237] : memref<3840x128xi32, #tpu.memory_space<hbm>> -> memref<2x128xi32, #tpu.memory_space<hbm>>
        tpu.wait_dma2 semaphore(%run_scoped3A : memref<!tpu.dma_semaphore, #tpu.memory_space<semaphore_mem>>) src(%dma_wait3A_238 : memref<2x128xi32, #tpu.memory_space<hbm>>) dst(%arg7 : memref<2x128xi32, #tpu.memory_space<vmem>>)
        tpu.yield
      }) : () -> ()
      %dma_start3A_138 = arith.constant 0 : i32
      %dma_start3A_139 = arith.constant 0 : i32
      %dma_start3A_140 = arith.constant 0 : i32
      %dma_start3A_141 = tpu.memref_slice %arg13[%dma_start3A_139, %dma_start3A_140] : memref<256x128xf32, #tpu.memory_space<vmem>> -> memref<128x128xf32, #tpu.memory_space<vmem>>
      %dma_start3A_142 = arith.constant 0 : i32
      %dma_start3A_143 = tpu.memref_slice %arg7[%dma_start3A_138, %dma_start3A_142] : memref<2x128xi32, #tpu.memory_space<vmem>> -> memref<1x128xi32, #tpu.memory_space<vmem>>
      %dma_start3A_144 = tpu.memref_squeeze %dma_start3A_143 : memref<1x128xi32, #tpu.memory_space<vmem>> -> memref<128xi32, #tpu.memory_space<vmem>>
      %dma_start3A_145 = arith.constant 0 : i32
      %dma_start3A_146 = arith.constant 0 : i32
      %dma_start3A_147 = tpu.memref_slice %arg2[%dma_start3A_145, %dma_start3A_146] : memref<15360x128xf32, #tpu.memory_space<hbm>> -> memref<15360x128xf32, #tpu.memory_space<hbm>>
      tpu.enqueue_indirect_dma source(%dma_start3A_147 : memref<15360x128xf32, #tpu.memory_space<hbm>>) target(%dma_start3A_141 : memref<128x128xf32, #tpu.memory_space<vmem>>) offsets(%dma_start3A_144 : memref<128xi32, #tpu.memory_space<vmem>>) semaphore(%arg16 : memref<!tpu.dma_semaphore, #tpu.memory_space<semaphore_mem>>)
      %dma_start3A_148 = arith.constant 1 : i32
      %dma_start3A_149 = arith.constant 128 : i32
      %dma_start3A_150 = arith.constant 0 : i32
      %dma_start3A_151 = tpu.memref_slice %arg13[%dma_start3A_149, %dma_start3A_150] : memref<256x128xf32, #tpu.memory_space<vmem>> -> memref<128x128xf32, #tpu.memory_space<vmem>>
      %dma_start3A_152 = arith.constant 0 : i32
      %dma_start3A_153 = tpu.memref_slice %arg7[%dma_start3A_148, %dma_start3A_152] : memref<2x128xi32, #tpu.memory_space<vmem>> -> memref<1x128xi32, #tpu.memory_space<vmem>>
      %dma_start3A_154 = tpu.memref_squeeze %dma_start3A_153 : memref<1x128xi32, #tpu.memory_space<vmem>> -> memref<128xi32, #tpu.memory_space<vmem>>
      %dma_start3A_155 = arith.constant 0 : i32
      %dma_start3A_156 = arith.constant 0 : i32
      %dma_start3A_157 = tpu.memref_slice %arg2[%dma_start3A_155, %dma_start3A_156] : memref<15360x128xf32, #tpu.memory_space<hbm>> -> memref<15360x128xf32, #tpu.memory_space<hbm>>
      tpu.enqueue_indirect_dma source(%dma_start3A_157 : memref<15360x128xf32, #tpu.memory_space<hbm>>) target(%dma_start3A_151 : memref<128x128xf32, #tpu.memory_space<vmem>>) offsets(%dma_start3A_154 : memref<128xi32, #tpu.memory_space<vmem>>) semaphore(%arg16 : memref<!tpu.dma_semaphore, #tpu.memory_space<semaphore_mem>>)
      %add3A_158 = arith.addi %add3A_14, %mul3A_134 : i32
      "tpu.region"() ({
        %run_scoped3A = tpu.sem_alloc : memref<!tpu.dma_semaphore, #tpu.memory_space<semaphore_mem>>
        %dma_start3A_231 = arith.constant 0 : i32
        %dma_start3A_232 = tpu.memref_slice %arg4[%add3A_158, %dma_start3A_231] : memref<7680x128xi32, #tpu.memory_space<hbm>> -> memref<1x128xi32, #tpu.memory_space<hbm>>
        %dma_start3A_233 = tpu.memref_squeeze %dma_start3A_232 : memref<1x128xi32, #tpu.memory_space<hbm>> -> memref<128xi32, #tpu.memory_space<hbm>>
        %dma_start3A_234 = arith.constant 0 : i32
        %dma_start3A_235 = tpu.memref_slice %arg4[%add3A_158, %dma_start3A_234] : memref<7680x128xi32, #tpu.memory_space<hbm>> -> memref<1x128xi32, #tpu.memory_space<hbm>>
        %dma_start3A_236 = tpu.memref_squeeze %dma_start3A_235 : memref<1x128xi32, #tpu.memory_space<hbm>> -> memref<128xi32, #tpu.memory_space<hbm>>
        tpu.enqueue_dma source(%dma_start3A_236 : memref<128xi32, #tpu.memory_space<hbm>>) target(%arg8 : memref<128xi32, #tpu.memory_space<vmem>>) target_semaphore(%run_scoped3A : memref<!tpu.dma_semaphore, #tpu.memory_space<semaphore_mem>>)
        %dma_wait3A_237 = arith.constant 0 : i32
        %dma_wait3A_238 = tpu.memref_slice %arg4[%add3A_158, %dma_wait3A_237] : memref<7680x128xi32, #tpu.memory_space<hbm>> -> memref<1x128xi32, #tpu.memory_space<hbm>>
        %dma_wait3A_239 = tpu.memref_squeeze %dma_wait3A_238 : memref<1x128xi32, #tpu.memory_space<hbm>> -> memref<128xi32, #tpu.memory_space<hbm>>
        %dma_wait3A_240 = arith.constant 0 : i32
        %dma_wait3A_241 = tpu.memref_slice %arg4[%add3A_158, %dma_wait3A_240] : memref<7680x128xi32, #tpu.memory_space<hbm>> -> memref<1x128xi32, #tpu.memory_space<hbm>>
        %dma_wait3A_242 = tpu.memref_squeeze %dma_wait3A_241 : memref<1x128xi32, #tpu.memory_space<hbm>> -> memref<128xi32, #tpu.memory_space<hbm>>
        tpu.wait_dma2 semaphore(%run_scoped3A : memref<!tpu.dma_semaphore, #tpu.memory_space<semaphore_mem>>) src(%dma_wait3A_242 : memref<128xi32, #tpu.memory_space<hbm>>) dst(%arg8 : memref<128xi32, #tpu.memory_space<vmem>>)
        tpu.yield
      }) : () -> ()
      %add3A_159 = arith.addi %add3A_14, %mul3A_134 : i32
      %add3A_160 = arith.constant 1 : i32
      %add3A_161 = arith.addi %add3A_159, %add3A_160 : i32
      "tpu.region"() ({
        %run_scoped3A = tpu.sem_alloc : memref<!tpu.dma_semaphore, #tpu.memory_space<semaphore_mem>>
        %dma_start3A_231 = arith.constant 0 : i32
        %dma_start3A_232 = tpu.memref_slice %arg4[%add3A_161, %dma_start3A_231] : memref<7680x128xi32, #tpu.memory_space<hbm>> -> memref<1x128xi32, #tpu.memory_space<hbm>>
        %dma_start3A_233 = tpu.memref_squeeze %dma_start3A_232 : memref<1x128xi32, #tpu.memory_space<hbm>> -> memref<128xi32, #tpu.memory_space<hbm>>
        %dma_start3A_234 = arith.constant 0 : i32
        %dma_start3A_235 = tpu.memref_slice %arg4[%add3A_161, %dma_start3A_234] : memref<7680x128xi32, #tpu.memory_space<hbm>> -> memref<1x128xi32, #tpu.memory_space<hbm>>
        %dma_start3A_236 = tpu.memref_squeeze %dma_start3A_235 : memref<1x128xi32, #tpu.memory_space<hbm>> -> memref<128xi32, #tpu.memory_space<hbm>>
        tpu.enqueue_dma source(%dma_start3A_236 : memref<128xi32, #tpu.memory_space<hbm>>) target(%arg9 : memref<128xi32, #tpu.memory_space<vmem>>) target_semaphore(%run_scoped3A : memref<!tpu.dma_semaphore, #tpu.memory_space<semaphore_mem>>)
        %dma_wait3A_237 = arith.constant 0 : i32
        %dma_wait3A_238 = tpu.memref_slice %arg4[%add3A_161, %dma_wait3A_237] : memref<7680x128xi32, #tpu.memory_space<hbm>> -> memref<1x128xi32, #tpu.memory_space<hbm>>
        %dma_wait3A_239 = tpu.memref_squeeze %dma_wait3A_238 : memref<1x128xi32, #tpu.memory_space<hbm>> -> memref<128xi32, #tpu.memory_space<hbm>>
        %dma_wait3A_240 = arith.constant 0 : i32
        %dma_wait3A_241 = tpu.memref_slice %arg4[%add3A_161, %dma_wait3A_240] : memref<7680x128xi32, #tpu.memory_space<hbm>> -> memref<1x128xi32, #tpu.memory_space<hbm>>
        %dma_wait3A_242 = tpu.memref_squeeze %dma_wait3A_241 : memref<1x128xi32, #tpu.memory_space<hbm>> -> memref<128xi32, #tpu.memory_space<hbm>>
        tpu.wait_dma2 semaphore(%run_scoped3A : memref<!tpu.dma_semaphore, #tpu.memory_space<semaphore_mem>>) src(%dma_wait3A_242 : memref<128xi32, #tpu.memory_space<hbm>>) dst(%arg9 : memref<128xi32, #tpu.memory_space<vmem>>)
        tpu.yield
      }) : () -> ()
      %dma_wait3A_162 = arith.constant 0 : i32
      %dma_wait3A_163 = arith.constant 0 : i32
      %dma_wait3A_164 = arith.constant 0 : i32
      %dma_wait3A_165 = tpu.memref_slice %arg12[%dma_wait3A_163, %dma_wait3A_164] : memref<256x128xf32, #tpu.memory_space<vmem>> -> memref<128x128xf32, #tpu.memory_space<vmem>>
      %dma_wait3A_166 = arith.constant 0 : i32
      %dma_wait3A_167 = tpu.memref_slice %arg6[%dma_wait3A_162, %dma_wait3A_166] : memref<2x128xi32, #tpu.memory_space<vmem>> -> memref<1x128xi32, #tpu.memory_space<vmem>>
      %dma_wait3A_168 = tpu.memref_squeeze %dma_wait3A_167 : memref<1x128xi32, #tpu.memory_space<vmem>> -> memref<128xi32, #tpu.memory_space<vmem>>
      %dma_wait3A_169 = arith.constant 0 : i32
      %dma_wait3A_170 = arith.constant 0 : i32
      %dma_wait3A_171 = tpu.memref_slice %arg2[%dma_wait3A_169, %dma_wait3A_170] : memref<15360x128xf32, #tpu.memory_space<hbm>> -> memref<15360x128xf32, #tpu.memory_space<hbm>>
      tpu.wait_indirect_dma semaphore(%arg15 : memref<!tpu.dma_semaphore, #tpu.memory_space<semaphore_mem>>) src(%dma_wait3A_171 : memref<15360x128xf32, #tpu.memory_space<hbm>>) dst(%dma_wait3A_165 : memref<128x128xf32, #tpu.memory_space<vmem>>)
      %dma_wait3A_172 = arith.constant 1 : i32
      %dma_wait3A_173 = arith.constant 128 : i32
      %dma_wait3A_174 = arith.constant 0 : i32
      %dma_wait3A_175 = tpu.memref_slice %arg12[%dma_wait3A_173, %dma_wait3A_174] : memref<256x128xf32, #tpu.memory_space<vmem>> -> memref<128x128xf32, #tpu.memory_space<vmem>>
      %dma_wait3A_176 = arith.constant 0 : i32
      %dma_wait3A_177 = tpu.memref_slice %arg6[%dma_wait3A_172, %dma_wait3A_176] : memref<2x128xi32, #tpu.memory_space<vmem>> -> memref<1x128xi32, #tpu.memory_space<vmem>>
      %dma_wait3A_178 = tpu.memref_squeeze %dma_wait3A_177 : memref<1x128xi32, #tpu.memory_space<vmem>> -> memref<128xi32, #tpu.memory_space<vmem>>
      %dma_wait3A_179 = arith.constant 0 : i32
      %dma_wait3A_180 = arith.constant 0 : i32
      %dma_wait3A_181 = tpu.memref_slice %arg2[%dma_wait3A_179, %dma_wait3A_180] : memref<15360x128xf32, #tpu.memory_space<hbm>> -> memref<15360x128xf32, #tpu.memory_space<hbm>>
      tpu.wait_indirect_dma semaphore(%arg15 : memref<!tpu.dma_semaphore, #tpu.memory_space<semaphore_mem>>) src(%dma_wait3A_181 : memref<15360x128xf32, #tpu.memory_space<hbm>>) dst(%dma_wait3A_175 : memref<128x128xf32, #tpu.memory_space<vmem>>)
      "tpu.region"() ({
        %run_scoped3A = tpu.sem_alloc : memref<!tpu.dma_semaphore, #tpu.memory_space<semaphore_mem>>
        %dma_start3A_231 = arith.constant 0 : i32
        %dma_start3A_232 = arith.constant 0 : i32
        %dma_start3A_233 = tpu.memref_slice %arg12[%dma_start3A_231, %dma_start3A_232] : memref<256x128xf32, #tpu.memory_space<vmem>> -> memref<128x128xf32, #tpu.memory_space<vmem>>
        %dma_start3A_234 = arith.constant 0 : i32
        %dma_start3A_235 = arith.constant 0 : i32
        %dma_start3A_236 = tpu.memref_slice %arg14[%dma_start3A_234, %dma_start3A_235] : memref<7688x128xf32, #tpu.memory_space<vmem_shared>> -> memref<7688x128xf32, #tpu.memory_space<vmem_shared>>
        tpu.enqueue_indirect_dma source(%dma_start3A_233 : memref<128x128xf32, #tpu.memory_space<vmem>>) target(%dma_start3A_236 : memref<7688x128xf32, #tpu.memory_space<vmem_shared>>) offsets(%arg8 : memref<128xi32, #tpu.memory_space<vmem>>) semaphore(%run_scoped3A : memref<!tpu.dma_semaphore, #tpu.memory_space<semaphore_mem>>) {add = true}
        %dma_wait3A_237 = arith.constant 0 : i32
        %dma_wait3A_238 = arith.constant 0 : i32
        %dma_wait3A_239 = tpu.memref_slice %arg12[%dma_wait3A_237, %dma_wait3A_238] : memref<256x128xf32, #tpu.memory_space<vmem>> -> memref<128x128xf32, #tpu.memory_space<vmem>>
        %dma_wait3A_240 = arith.constant 0 : i32
        %dma_wait3A_241 = arith.constant 0 : i32
        %dma_wait3A_242 = tpu.memref_slice %arg14[%dma_wait3A_240, %dma_wait3A_241] : memref<7688x128xf32, #tpu.memory_space<vmem_shared>> -> memref<7688x128xf32, #tpu.memory_space<vmem_shared>>
        tpu.wait_indirect_dma semaphore(%run_scoped3A : memref<!tpu.dma_semaphore, #tpu.memory_space<semaphore_mem>>) src(%dma_wait3A_239 : memref<128x128xf32, #tpu.memory_space<vmem>>) dst(%dma_wait3A_242 : memref<7688x128xf32, #tpu.memory_space<vmem_shared>>)
        tpu.yield
      }) : () -> ()
      "tpu.region"() ({
        %run_scoped3A = tpu.sem_alloc : memref<!tpu.dma_semaphore, #tpu.memory_space<semaphore_mem>>
        %dma_start3A_231 = arith.constant 128 : i32
        %dma_start3A_232 = arith.constant 0 : i32
        %dma_start3A_233 = tpu.memref_slice %arg12[%dma_start3A_231, %dma_start3A_232] : memref<256x128xf32, #tpu.memory_space<vmem>> -> memref<128x128xf32, #tpu.memory_space<vmem>>
        %dma_start3A_234 = arith.constant 0 : i32
        %dma_start3A_235 = arith.constant 0 : i32
        %dma_start3A_236 = tpu.memref_slice %arg14[%dma_start3A_234, %dma_start3A_235] : memref<7688x128xf32, #tpu.memory_space<vmem_shared>> -> memref<7688x128xf32, #tpu.memory_space<vmem_shared>>
        tpu.enqueue_indirect_dma source(%dma_start3A_233 : memref<128x128xf32, #tpu.memory_space<vmem>>) target(%dma_start3A_236 : memref<7688x128xf32, #tpu.memory_space<vmem_shared>>) offsets(%arg9 : memref<128xi32, #tpu.memory_space<vmem>>) semaphore(%run_scoped3A : memref<!tpu.dma_semaphore, #tpu.memory_space<semaphore_mem>>) {add = true}
        %dma_wait3A_237 = arith.constant 128 : i32
        %dma_wait3A_238 = arith.constant 0 : i32
        %dma_wait3A_239 = tpu.memref_slice %arg12[%dma_wait3A_237, %dma_wait3A_238] : memref<256x128xf32, #tpu.memory_space<vmem>> -> memref<128x128xf32, #tpu.memory_space<vmem>>
        %dma_wait3A_240 = arith.constant 0 : i32
        %dma_wait3A_241 = arith.constant 0 : i32
        %dma_wait3A_242 = tpu.memref_slice %arg14[%dma_wait3A_240, %dma_wait3A_241] : memref<7688x128xf32, #tpu.memory_space<vmem_shared>> -> memref<7688x128xf32, #tpu.memory_space<vmem_shared>>
        tpu.wait_indirect_dma semaphore(%run_scoped3A : memref<!tpu.dma_semaphore, #tpu.memory_space<semaphore_mem>>) src(%dma_wait3A_239 : memref<128x128xf32, #tpu.memory_space<vmem>>) dst(%dma_wait3A_242 : memref<7688x128xf32, #tpu.memory_space<vmem_shared>>)
        tpu.yield
      }) : () -> ()
      %add3A_182 = arith.constant 4 : i32
      %add3A_183 = arith.addi %mul3A_134, %add3A_182 : i32
      %add3A_184 = arith.addi %mul3A_9, %add3A_183 : i32
      "tpu.region"() ({
        %run_scoped3A = tpu.sem_alloc : memref<!tpu.dma_semaphore, #tpu.memory_space<semaphore_mem>>
        %dma_start3A_231 = arith.constant 0 : i32
        %dma_start3A_232 = tpu.memref_slice %arg3[%add3A_184, %dma_start3A_231] : memref<3840x128xi32, #tpu.memory_space<hbm>> -> memref<2x128xi32, #tpu.memory_space<hbm>>
        %dma_start3A_233 = arith.constant 0 : i32
        %dma_start3A_234 = tpu.memref_slice %arg3[%add3A_184, %dma_start3A_233] : memref<3840x128xi32, #tpu.memory_space<hbm>> -> memref<2x128xi32, #tpu.memory_space<hbm>>
        tpu.enqueue_dma source(%dma_start3A_234 : memref<2x128xi32, #tpu.memory_space<hbm>>) target(%arg6 : memref<2x128xi32, #tpu.memory_space<vmem>>) target_semaphore(%run_scoped3A : memref<!tpu.dma_semaphore, #tpu.memory_space<semaphore_mem>>)
        %dma_wait3A_235 = arith.constant 0 : i32
        %dma_wait3A_236 = tpu.memref_slice %arg3[%add3A_184, %dma_wait3A_235] : memref<3840x128xi32, #tpu.memory_space<hbm>> -> memref<2x128xi32, #tpu.memory_space<hbm>>
        %dma_wait3A_237 = arith.constant 0 : i32
        %dma_wait3A_238 = tpu.memref_slice %arg3[%add3A_184, %dma_wait3A_237] : memref<3840x128xi32, #tpu.memory_space<hbm>> -> memref<2x128xi32, #tpu.memory_space<hbm>>
        tpu.wait_dma2 semaphore(%run_scoped3A : memref<!tpu.dma_semaphore, #tpu.memory_space<semaphore_mem>>) src(%dma_wait3A_238 : memref<2x128xi32, #tpu.memory_space<hbm>>) dst(%arg6 : memref<2x128xi32, #tpu.memory_space<vmem>>)
        tpu.yield
      }) : () -> ()
      %dma_start3A_185 = arith.constant 0 : i32
      %dma_start3A_186 = arith.constant 0 : i32
      %dma_start3A_187 = arith.constant 0 : i32
      %dma_start3A_188 = tpu.memref_slice %arg12[%dma_start3A_186, %dma_start3A_187] : memref<256x128xf32, #tpu.memory_space<vmem>> -> memref<128x128xf32, #tpu.memory_space<vmem>>
      %dma_start3A_189 = arith.constant 0 : i32
      %dma_start3A_190 = tpu.memref_slice %arg6[%dma_start3A_185, %dma_start3A_189] : memref<2x128xi32, #tpu.memory_space<vmem>> -> memref<1x128xi32, #tpu.memory_space<vmem>>
      %dma_start3A_191 = tpu.memref_squeeze %dma_start3A_190 : memref<1x128xi32, #tpu.memory_space<vmem>> -> memref<128xi32, #tpu.memory_space<vmem>>
      %dma_start3A_192 = arith.constant 0 : i32
      %dma_start3A_193 = arith.constant 0 : i32
      %dma_start3A_194 = tpu.memref_slice %arg2[%dma_start3A_192, %dma_start3A_193] : memref<15360x128xf32, #tpu.memory_space<hbm>> -> memref<15360x128xf32, #tpu.memory_space<hbm>>
      tpu.enqueue_indirect_dma source(%dma_start3A_194 : memref<15360x128xf32, #tpu.memory_space<hbm>>) target(%dma_start3A_188 : memref<128x128xf32, #tpu.memory_space<vmem>>) offsets(%dma_start3A_191 : memref<128xi32, #tpu.memory_space<vmem>>) semaphore(%arg15 : memref<!tpu.dma_semaphore, #tpu.memory_space<semaphore_mem>>)
      %dma_start3A_195 = arith.constant 1 : i32
      %dma_start3A_196 = arith.constant 128 : i32
      %dma_start3A_197 = arith.constant 0 : i32
      %dma_start3A_198 = tpu.memref_slice %arg12[%dma_start3A_196, %dma_start3A_197] : memref<256x128xf32, #tpu.memory_space<vmem>> -> memref<128x128xf32, #tpu.memory_space<vmem>>
      %dma_start3A_199 = arith.constant 0 : i32
      %dma_start3A_200 = tpu.memref_slice %arg6[%dma_start3A_195, %dma_start3A_199] : memref<2x128xi32, #tpu.memory_space<vmem>> -> memref<1x128xi32, #tpu.memory_space<vmem>>
      %dma_start3A_201 = tpu.memref_squeeze %dma_start3A_200 : memref<1x128xi32, #tpu.memory_space<vmem>> -> memref<128xi32, #tpu.memory_space<vmem>>
      %dma_start3A_202 = arith.constant 0 : i32
      %dma_start3A_203 = arith.constant 0 : i32
      %dma_start3A_204 = tpu.memref_slice %arg2[%dma_start3A_202, %dma_start3A_203] : memref<15360x128xf32, #tpu.memory_space<hbm>> -> memref<15360x128xf32, #tpu.memory_space<hbm>>
      tpu.enqueue_indirect_dma source(%dma_start3A_204 : memref<15360x128xf32, #tpu.memory_space<hbm>>) target(%dma_start3A_198 : memref<128x128xf32, #tpu.memory_space<vmem>>) offsets(%dma_start3A_201 : memref<128xi32, #tpu.memory_space<vmem>>) semaphore(%arg15 : memref<!tpu.dma_semaphore, #tpu.memory_space<semaphore_mem>>)
      %add3A_205 = arith.addi %add3A_14, %mul3A_134 : i32
      %add3A_206 = arith.constant 2 : i32
      %add3A_207 = arith.addi %add3A_205, %add3A_206 : i32
      "tpu.region"() ({
        %run_scoped3A = tpu.sem_alloc : memref<!tpu.dma_semaphore, #tpu.memory_space<semaphore_mem>>
        %dma_start3A_231 = arith.constant 0 : i32
        %dma_start3A_232 = tpu.memref_slice %arg4[%add3A_207, %dma_start3A_231] : memref<7680x128xi32, #tpu.memory_space<hbm>> -> memref<1x128xi32, #tpu.memory_space<hbm>>
        %dma_start3A_233 = tpu.memref_squeeze %dma_start3A_232 : memref<1x128xi32, #tpu.memory_space<hbm>> -> memref<128xi32, #tpu.memory_space<hbm>>
        %dma_start3A_234 = arith.constant 0 : i32
        %dma_start3A_235 = tpu.memref_slice %arg4[%add3A_207, %dma_start3A_234] : memref<7680x128xi32, #tpu.memory_space<hbm>> -> memref<1x128xi32, #tpu.memory_space<hbm>>
        %dma_start3A_236 = tpu.memref_squeeze %dma_start3A_235 : memref<1x128xi32, #tpu.memory_space<hbm>> -> memref<128xi32, #tpu.memory_space<hbm>>
        tpu.enqueue_dma source(%dma_start3A_236 : memref<128xi32, #tpu.memory_space<hbm>>) target(%arg10 : memref<128xi32, #tpu.memory_space<vmem>>) target_semaphore(%run_scoped3A : memref<!tpu.dma_semaphore, #tpu.memory_space<semaphore_mem>>)
        %dma_wait3A_237 = arith.constant 0 : i32
        %dma_wait3A_238 = tpu.memref_slice %arg4[%add3A_207, %dma_wait3A_237] : memref<7680x128xi32, #tpu.memory_space<hbm>> -> memref<1x128xi32, #tpu.memory_space<hbm>>
        %dma_wait3A_239 = tpu.memref_squeeze %dma_wait3A_238 : memref<1x128xi32, #tpu.memory_space<hbm>> -> memref<128xi32, #tpu.memory_space<hbm>>
        %dma_wait3A_240 = arith.constant 0 : i32
        %dma_wait3A_241 = tpu.memref_slice %arg4[%add3A_207, %dma_wait3A_240] : memref<7680x128xi32, #tpu.memory_space<hbm>> -> memref<1x128xi32, #tpu.memory_space<hbm>>
        %dma_wait3A_242 = tpu.memref_squeeze %dma_wait3A_241 : memref<1x128xi32, #tpu.memory_space<hbm>> -> memref<128xi32, #tpu.memory_space<hbm>>
        tpu.wait_dma2 semaphore(%run_scoped3A : memref<!tpu.dma_semaphore, #tpu.memory_space<semaphore_mem>>) src(%dma_wait3A_242 : memref<128xi32, #tpu.memory_space<hbm>>) dst(%arg10 : memref<128xi32, #tpu.memory_space<vmem>>)
        tpu.yield
      }) : () -> ()
      %add3A_208 = arith.addi %add3A_14, %mul3A_134 : i32
      %add3A_209 = arith.constant 3 : i32
      %add3A_210 = arith.addi %add3A_208, %add3A_209 : i32
      "tpu.region"() ({
        %run_scoped3A = tpu.sem_alloc : memref<!tpu.dma_semaphore, #tpu.memory_space<semaphore_mem>>
        %dma_start3A_231 = arith.constant 0 : i32
        %dma_start3A_232 = tpu.memref_slice %arg4[%add3A_210, %dma_start3A_231] : memref<7680x128xi32, #tpu.memory_space<hbm>> -> memref<1x128xi32, #tpu.memory_space<hbm>>
        %dma_start3A_233 = tpu.memref_squeeze %dma_start3A_232 : memref<1x128xi32, #tpu.memory_space<hbm>> -> memref<128xi32, #tpu.memory_space<hbm>>
        %dma_start3A_234 = arith.constant 0 : i32
        %dma_start3A_235 = tpu.memref_slice %arg4[%add3A_210, %dma_start3A_234] : memref<7680x128xi32, #tpu.memory_space<hbm>> -> memref<1x128xi32, #tpu.memory_space<hbm>>
        %dma_start3A_236 = tpu.memref_squeeze %dma_start3A_235 : memref<1x128xi32, #tpu.memory_space<hbm>> -> memref<128xi32, #tpu.memory_space<hbm>>
        tpu.enqueue_dma source(%dma_start3A_236 : memref<128xi32, #tpu.memory_space<hbm>>) target(%arg11 : memref<128xi32, #tpu.memory_space<vmem>>) target_semaphore(%run_scoped3A : memref<!tpu.dma_semaphore, #tpu.memory_space<semaphore_mem>>)
        %dma_wait3A_237 = arith.constant 0 : i32
        %dma_wait3A_238 = tpu.memref_slice %arg4[%add3A_210, %dma_wait3A_237] : memref<7680x128xi32, #tpu.memory_space<hbm>> -> memref<1x128xi32, #tpu.memory_space<hbm>>
        %dma_wait3A_239 = tpu.memref_squeeze %dma_wait3A_238 : memref<1x128xi32, #tpu.memory_space<hbm>> -> memref<128xi32, #tpu.memory_space<hbm>>
        %dma_wait3A_240 = arith.constant 0 : i32
        %dma_wait3A_241 = tpu.memref_slice %arg4[%add3A_210, %dma_wait3A_240] : memref<7680x128xi32, #tpu.memory_space<hbm>> -> memref<1x128xi32, #tpu.memory_space<hbm>>
        %dma_wait3A_242 = tpu.memref_squeeze %dma_wait3A_241 : memref<1x128xi32, #tpu.memory_space<hbm>> -> memref<128xi32, #tpu.memory_space<hbm>>
        tpu.wait_dma2 semaphore(%run_scoped3A : memref<!tpu.dma_semaphore, #tpu.memory_space<semaphore_mem>>) src(%dma_wait3A_242 : memref<128xi32, #tpu.memory_space<hbm>>) dst(%arg11 : memref<128xi32, #tpu.memory_space<vmem>>)
        tpu.yield
      }) : () -> ()
      %dma_wait3A_211 = arith.constant 0 : i32
      %dma_wait3A_212 = arith.constant 0 : i32
      %dma_wait3A_213 = arith.constant 0 : i32
      %dma_wait3A_214 = tpu.memref_slice %arg13[%dma_wait3A_212, %dma_wait3A_213] : memref<256x128xf32, #tpu.memory_space<vmem>> -> memref<128x128xf32, #tpu.memory_space<vmem>>
      %dma_wait3A_215 = arith.constant 0 : i32
      %dma_wait3A_216 = tpu.memref_slice %arg7[%dma_wait3A_211, %dma_wait3A_215] : memref<2x128xi32, #tpu.memory_space<vmem>> -> memref<1x128xi32, #tpu.memory_space<vmem>>
      %dma_wait3A_217 = tpu.memref_squeeze %dma_wait3A_216 : memref<1x128xi32, #tpu.memory_space<vmem>> -> memref<128xi32, #tpu.memory_space<vmem>>
      %dma_wait3A_218 = arith.constant 0 : i32
      %dma_wait3A_219 = arith.constant 0 : i32
      %dma_wait3A_220 = tpu.memref_slice %arg2[%dma_wait3A_218, %dma_wait3A_219] : memref<15360x128xf32, #tpu.memory_space<hbm>> -> memref<15360x128xf32, #tpu.memory_space<hbm>>
      tpu.wait_indirect_dma semaphore(%arg16 : memref<!tpu.dma_semaphore, #tpu.memory_space<semaphore_mem>>) src(%dma_wait3A_220 : memref<15360x128xf32, #tpu.memory_space<hbm>>) dst(%dma_wait3A_214 : memref<128x128xf32, #tpu.memory_space<vmem>>)
      %dma_wait3A_221 = arith.constant 1 : i32
      %dma_wait3A_222 = arith.constant 128 : i32
      %dma_wait3A_223 = arith.constant 0 : i32
      %dma_wait3A_224 = tpu.memref_slice %arg13[%dma_wait3A_222, %dma_wait3A_223] : memref<256x128xf32, #tpu.memory_space<vmem>> -> memref<128x128xf32, #tpu.memory_space<vmem>>
      %dma_wait3A_225 = arith.constant 0 : i32
      %dma_wait3A_226 = tpu.memref_slice %arg7[%dma_wait3A_221, %dma_wait3A_225] : memref<2x128xi32, #tpu.memory_space<vmem>> -> memref<1x128xi32, #tpu.memory_space<vmem>>
      %dma_wait3A_227 = tpu.memref_squeeze %dma_wait3A_226 : memref<1x128xi32, #tpu.memory_space<vmem>> -> memref<128xi32, #tpu.memory_space<vmem>>
      %dma_wait3A_228 = arith.constant 0 : i32
      %dma_wait3A_229 = arith.constant 0 : i32
      %dma_wait3A_230 = tpu.memref_slice %arg2[%dma_wait3A_228, %dma_wait3A_229] : memref<15360x128xf32, #tpu.memory_space<hbm>> -> memref<15360x128xf32, #tpu.memory_space<hbm>>
      tpu.wait_indirect_dma semaphore(%arg16 : memref<!tpu.dma_semaphore, #tpu.memory_space<semaphore_mem>>) src(%dma_wait3A_230 : memref<15360x128xf32, #tpu.memory_space<hbm>>) dst(%dma_wait3A_224 : memref<128x128xf32, #tpu.memory_space<vmem>>)
      "tpu.region"() ({
        %run_scoped3A = tpu.sem_alloc : memref<!tpu.dma_semaphore, #tpu.memory_space<semaphore_mem>>
        %dma_start3A_231 = arith.constant 0 : i32
        %dma_start3A_232 = arith.constant 0 : i32
        %dma_start3A_233 = tpu.memref_slice %arg13[%dma_start3A_231, %dma_start3A_232] : memref<256x128xf32, #tpu.memory_space<vmem>> -> memref<128x128xf32, #tpu.memory_space<vmem>>
        %dma_start3A_234 = arith.constant 0 : i32
        %dma_start3A_235 = arith.constant 0 : i32
        %dma_start3A_236 = tpu.memref_slice %arg14[%dma_start3A_234, %dma_start3A_235] : memref<7688x128xf32, #tpu.memory_space<vmem_shared>> -> memref<7688x128xf32, #tpu.memory_space<vmem_shared>>
        tpu.enqueue_indirect_dma source(%dma_start3A_233 : memref<128x128xf32, #tpu.memory_space<vmem>>) target(%dma_start3A_236 : memref<7688x128xf32, #tpu.memory_space<vmem_shared>>) offsets(%arg10 : memref<128xi32, #tpu.memory_space<vmem>>) semaphore(%run_scoped3A : memref<!tpu.dma_semaphore, #tpu.memory_space<semaphore_mem>>) {add = true}
        %dma_wait3A_237 = arith.constant 0 : i32
        %dma_wait3A_238 = arith.constant 0 : i32
        %dma_wait3A_239 = tpu.memref_slice %arg13[%dma_wait3A_237, %dma_wait3A_238] : memref<256x128xf32, #tpu.memory_space<vmem>> -> memref<128x128xf32, #tpu.memory_space<vmem>>
        %dma_wait3A_240 = arith.constant 0 : i32
        %dma_wait3A_241 = arith.constant 0 : i32
        %dma_wait3A_242 = tpu.memref_slice %arg14[%dma_wait3A_240, %dma_wait3A_241] : memref<7688x128xf32, #tpu.memory_space<vmem_shared>> -> memref<7688x128xf32, #tpu.memory_space<vmem_shared>>
        tpu.wait_indirect_dma semaphore(%run_scoped3A : memref<!tpu.dma_semaphore, #tpu.memory_space<semaphore_mem>>) src(%dma_wait3A_239 : memref<128x128xf32, #tpu.memory_space<vmem>>) dst(%dma_wait3A_242 : memref<7688x128xf32, #tpu.memory_space<vmem_shared>>)
        tpu.yield
      }) : () -> ()
      "tpu.region"() ({
        %run_scoped3A = tpu.sem_alloc : memref<!tpu.dma_semaphore, #tpu.memory_space<semaphore_mem>>
        %dma_start3A_231 = arith.constant 128 : i32
        %dma_start3A_232 = arith.constant 0 : i32
        %dma_start3A_233 = tpu.memref_slice %arg13[%dma_start3A_231, %dma_start3A_232] : memref<256x128xf32, #tpu.memory_space<vmem>> -> memref<128x128xf32, #tpu.memory_space<vmem>>
        %dma_start3A_234 = arith.constant 0 : i32
        %dma_start3A_235 = arith.constant 0 : i32
        %dma_start3A_236 = tpu.memref_slice %arg14[%dma_start3A_234, %dma_start3A_235] : memref<7688x128xf32, #tpu.memory_space<vmem_shared>> -> memref<7688x128xf32, #tpu.memory_space<vmem_shared>>
        tpu.enqueue_indirect_dma source(%dma_start3A_233 : memref<128x128xf32, #tpu.memory_space<vmem>>) target(%dma_start3A_236 : memref<7688x128xf32, #tpu.memory_space<vmem_shared>>) offsets(%arg11 : memref<128xi32, #tpu.memory_space<vmem>>) semaphore(%run_scoped3A : memref<!tpu.dma_semaphore, #tpu.memory_space<semaphore_mem>>) {add = true}
        %dma_wait3A_237 = arith.constant 128 : i32
        %dma_wait3A_238 = arith.constant 0 : i32
        %dma_wait3A_239 = tpu.memref_slice %arg13[%dma_wait3A_237, %dma_wait3A_238] : memref<256x128xf32, #tpu.memory_space<vmem>> -> memref<128x128xf32, #tpu.memory_space<vmem>>
        %dma_wait3A_240 = arith.constant 0 : i32
        %dma_wait3A_241 = arith.constant 0 : i32
        %dma_wait3A_242 = tpu.memref_slice %arg14[%dma_wait3A_240, %dma_wait3A_241] : memref<7688x128xf32, #tpu.memory_space<vmem_shared>> -> memref<7688x128xf32, #tpu.memory_space<vmem_shared>>
        tpu.wait_indirect_dma semaphore(%run_scoped3A : memref<!tpu.dma_semaphore, #tpu.memory_space<semaphore_mem>>) src(%dma_wait3A_239 : memref<128x128xf32, #tpu.memory_space<vmem>>) dst(%dma_wait3A_242 : memref<7688x128xf32, #tpu.memory_space<vmem_shared>>)
        tpu.yield
      }) : () -> ()
    }
    %scan3A_41 = arith.constant 59 : i32
    %add3A_42 = arith.constant 238 : i32
    %add3A_43 = arith.addi %mul3A_9, %add3A_42 : i32
    "tpu.region"() ({
      %run_scoped3A = tpu.sem_alloc : memref<!tpu.dma_semaphore, #tpu.memory_space<semaphore_mem>>
      %dma_start3A_132 = arith.constant 0 : i32
      %dma_start3A_133 = tpu.memref_slice %arg3[%add3A_43, %dma_start3A_132] : memref<3840x128xi32, #tpu.memory_space<hbm>> -> memref<2x128xi32, #tpu.memory_space<hbm>>
      %dma_start3A_134 = arith.constant 0 : i32
      %dma_start3A_135 = tpu.memref_slice %arg3[%add3A_43, %dma_start3A_134] : memref<3840x128xi32, #tpu.memory_space<hbm>> -> memref<2x128xi32, #tpu.memory_space<hbm>>
      tpu.enqueue_dma source(%dma_start3A_135 : memref<2x128xi32, #tpu.memory_space<hbm>>) target(%arg7 : memref<2x128xi32, #tpu.memory_space<vmem>>) target_semaphore(%run_scoped3A : memref<!tpu.dma_semaphore, #tpu.memory_space<semaphore_mem>>)
      %dma_wait3A_136 = arith.constant 0 : i32
      %dma_wait3A_137 = tpu.memref_slice %arg3[%add3A_43, %dma_wait3A_136] : memref<3840x128xi32, #tpu.memory_space<hbm>> -> memref<2x128xi32, #tpu.memory_space<hbm>>
      %dma_wait3A_138 = arith.constant 0 : i32
      %dma_wait3A_139 = tpu.memref_slice %arg3[%add3A_43, %dma_wait3A_138] : memref<3840x128xi32, #tpu.memory_space<hbm>> -> memref<2x128xi32, #tpu.memory_space<hbm>>
      tpu.wait_dma2 semaphore(%run_scoped3A : memref<!tpu.dma_semaphore, #tpu.memory_space<semaphore_mem>>) src(%dma_wait3A_139 : memref<2x128xi32, #tpu.memory_space<hbm>>) dst(%arg7 : memref<2x128xi32, #tpu.memory_space<vmem>>)
      tpu.yield
    }) : () -> ()
    %dma_start3A_44 = arith.constant 0 : i32
    %dma_start3A_45 = arith.constant 0 : i32
    %dma_start3A_46 = arith.constant 0 : i32
    %dma_start3A_47 = tpu.memref_slice %arg13[%dma_start3A_45, %dma_start3A_46] : memref<256x128xf32, #tpu.memory_space<vmem>> -> memref<128x128xf32, #tpu.memory_space<vmem>>
    %dma_start3A_48 = arith.constant 0 : i32
    %dma_start3A_49 = tpu.memref_slice %arg7[%dma_start3A_44, %dma_start3A_48] : memref<2x128xi32, #tpu.memory_space<vmem>> -> memref<1x128xi32, #tpu.memory_space<vmem>>
    %dma_start3A_50 = tpu.memref_squeeze %dma_start3A_49 : memref<1x128xi32, #tpu.memory_space<vmem>> -> memref<128xi32, #tpu.memory_space<vmem>>
    %dma_start3A_51 = arith.constant 0 : i32
    %dma_start3A_52 = arith.constant 0 : i32
    %dma_start3A_53 = tpu.memref_slice %arg2[%dma_start3A_51, %dma_start3A_52] : memref<15360x128xf32, #tpu.memory_space<hbm>> -> memref<15360x128xf32, #tpu.memory_space<hbm>>
    tpu.enqueue_indirect_dma source(%dma_start3A_53 : memref<15360x128xf32, #tpu.memory_space<hbm>>) target(%dma_start3A_47 : memref<128x128xf32, #tpu.memory_space<vmem>>) offsets(%dma_start3A_50 : memref<128xi32, #tpu.memory_space<vmem>>) semaphore(%arg16 : memref<!tpu.dma_semaphore, #tpu.memory_space<semaphore_mem>>)
    %dma_start3A_54 = arith.constant 1 : i32
    %dma_start3A_55 = arith.constant 128 : i32
    %dma_start3A_56 = arith.constant 0 : i32
    %dma_start3A_57 = tpu.memref_slice %arg13[%dma_start3A_55, %dma_start3A_56] : memref<256x128xf32, #tpu.memory_space<vmem>> -> memref<128x128xf32, #tpu.memory_space<vmem>>
    %dma_start3A_58 = arith.constant 0 : i32
    %dma_start3A_59 = tpu.memref_slice %arg7[%dma_start3A_54, %dma_start3A_58] : memref<2x128xi32, #tpu.memory_space<vmem>> -> memref<1x128xi32, #tpu.memory_space<vmem>>
    %dma_start3A_60 = tpu.memref_squeeze %dma_start3A_59 : memref<1x128xi32, #tpu.memory_space<vmem>> -> memref<128xi32, #tpu.memory_space<vmem>>
    %dma_start3A_61 = arith.constant 0 : i32
    %dma_start3A_62 = arith.constant 0 : i32
    %dma_start3A_63 = tpu.memref_slice %arg2[%dma_start3A_61, %dma_start3A_62] : memref<15360x128xf32, #tpu.memory_space<hbm>> -> memref<15360x128xf32, #tpu.memory_space<hbm>>
    tpu.enqueue_indirect_dma source(%dma_start3A_63 : memref<15360x128xf32, #tpu.memory_space<hbm>>) target(%dma_start3A_57 : memref<128x128xf32, #tpu.memory_space<vmem>>) offsets(%dma_start3A_60 : memref<128xi32, #tpu.memory_space<vmem>>) semaphore(%arg16 : memref<!tpu.dma_semaphore, #tpu.memory_space<semaphore_mem>>)
    %add3A_64 = arith.constant 236 : i32
    %add3A_65 = arith.addi %add3A_14, %add3A_64 : i32
    "tpu.region"() ({
      %run_scoped3A = tpu.sem_alloc : memref<!tpu.dma_semaphore, #tpu.memory_space<semaphore_mem>>
      %dma_start3A_132 = arith.constant 0 : i32
      %dma_start3A_133 = tpu.memref_slice %arg4[%add3A_65, %dma_start3A_132] : memref<7680x128xi32, #tpu.memory_space<hbm>> -> memref<1x128xi32, #tpu.memory_space<hbm>>
      %dma_start3A_134 = tpu.memref_squeeze %dma_start3A_133 : memref<1x128xi32, #tpu.memory_space<hbm>> -> memref<128xi32, #tpu.memory_space<hbm>>
      %dma_start3A_135 = arith.constant 0 : i32
      %dma_start3A_136 = tpu.memref_slice %arg4[%add3A_65, %dma_start3A_135] : memref<7680x128xi32, #tpu.memory_space<hbm>> -> memref<1x128xi32, #tpu.memory_space<hbm>>
      %dma_start3A_137 = tpu.memref_squeeze %dma_start3A_136 : memref<1x128xi32, #tpu.memory_space<hbm>> -> memref<128xi32, #tpu.memory_space<hbm>>
      tpu.enqueue_dma source(%dma_start3A_137 : memref<128xi32, #tpu.memory_space<hbm>>) target(%arg8 : memref<128xi32, #tpu.memory_space<vmem>>) target_semaphore(%run_scoped3A : memref<!tpu.dma_semaphore, #tpu.memory_space<semaphore_mem>>)
      %dma_wait3A_138 = arith.constant 0 : i32
      %dma_wait3A_139 = tpu.memref_slice %arg4[%add3A_65, %dma_wait3A_138] : memref<7680x128xi32, #tpu.memory_space<hbm>> -> memref<1x128xi32, #tpu.memory_space<hbm>>
      %dma_wait3A_140 = tpu.memref_squeeze %dma_wait3A_139 : memref<1x128xi32, #tpu.memory_space<hbm>> -> memref<128xi32, #tpu.memory_space<hbm>>
      %dma_wait3A_141 = arith.constant 0 : i32
      %dma_wait3A_142 = tpu.memref_slice %arg4[%add3A_65, %dma_wait3A_141] : memref<7680x128xi32, #tpu.memory_space<hbm>> -> memref<1x128xi32, #tpu.memory_space<hbm>>
      %dma_wait3A_143 = tpu.memref_squeeze %dma_wait3A_142 : memref<1x128xi32, #tpu.memory_space<hbm>> -> memref<128xi32, #tpu.memory_space<hbm>>
      tpu.wait_dma2 semaphore(%run_scoped3A : memref<!tpu.dma_semaphore, #tpu.memory_space<semaphore_mem>>) src(%dma_wait3A_143 : memref<128xi32, #tpu.memory_space<hbm>>) dst(%arg8 : memref<128xi32, #tpu.memory_space<vmem>>)
      tpu.yield
    }) : () -> ()
    %add3A_66 = arith.constant 236 : i32
    %add3A_67 = arith.addi %add3A_14, %add3A_66 : i32
    %add3A_68 = arith.constant 1 : i32
    %add3A_69 = arith.addi %add3A_67, %add3A_68 : i32
    "tpu.region"() ({
      %run_scoped3A = tpu.sem_alloc : memref<!tpu.dma_semaphore, #tpu.memory_space<semaphore_mem>>
      %dma_start3A_132 = arith.constant 0 : i32
      %dma_start3A_133 = tpu.memref_slice %arg4[%add3A_69, %dma_start3A_132] : memref<7680x128xi32, #tpu.memory_space<hbm>> -> memref<1x128xi32, #tpu.memory_space<hbm>>
      %dma_start3A_134 = tpu.memref_squeeze %dma_start3A_133 : memref<1x128xi32, #tpu.memory_space<hbm>> -> memref<128xi32, #tpu.memory_space<hbm>>
      %dma_start3A_135 = arith.constant 0 : i32
      %dma_start3A_136 = tpu.memref_slice %arg4[%add3A_69, %dma_start3A_135] : memref<7680x128xi32, #tpu.memory_space<hbm>> -> memref<1x128xi32, #tpu.memory_space<hbm>>
      %dma_start3A_137 = tpu.memref_squeeze %dma_start3A_136 : memref<1x128xi32, #tpu.memory_space<hbm>> -> memref<128xi32, #tpu.memory_space<hbm>>
      tpu.enqueue_dma source(%dma_start3A_137 : memref<128xi32, #tpu.memory_space<hbm>>) target(%arg9 : memref<128xi32, #tpu.memory_space<vmem>>) target_semaphore(%run_scoped3A : memref<!tpu.dma_semaphore, #tpu.memory_space<semaphore_mem>>)
      %dma_wait3A_138 = arith.constant 0 : i32
      %dma_wait3A_139 = tpu.memref_slice %arg4[%add3A_69, %dma_wait3A_138] : memref<7680x128xi32, #tpu.memory_space<hbm>> -> memref<1x128xi32, #tpu.memory_space<hbm>>
      %dma_wait3A_140 = tpu.memref_squeeze %dma_wait3A_139 : memref<1x128xi32, #tpu.memory_space<hbm>> -> memref<128xi32, #tpu.memory_space<hbm>>
      %dma_wait3A_141 = arith.constant 0 : i32
      %dma_wait3A_142 = tpu.memref_slice %arg4[%add3A_69, %dma_wait3A_141] : memref<7680x128xi32, #tpu.memory_space<hbm>> -> memref<1x128xi32, #tpu.memory_space<hbm>>
      %dma_wait3A_143 = tpu.memref_squeeze %dma_wait3A_142 : memref<1x128xi32, #tpu.memory_space<hbm>> -> memref<128xi32, #tpu.memory_space<hbm>>
      tpu.wait_dma2 semaphore(%run_scoped3A : memref<!tpu.dma_semaphore, #tpu.memory_space<semaphore_mem>>) src(%dma_wait3A_143 : memref<128xi32, #tpu.memory_space<hbm>>) dst(%arg9 : memref<128xi32, #tpu.memory_space<vmem>>)
      tpu.yield
    }) : () -> ()
    %dma_wait3A = arith.constant 0 : i32
    %dma_wait3A_70 = arith.constant 0 : i32
    %dma_wait3A_71 = arith.constant 0 : i32
    %dma_wait3A_72 = tpu.memref_slice %arg12[%dma_wait3A_70, %dma_wait3A_71] : memref<256x128xf32, #tpu.memory_space<vmem>> -> memref<128x128xf32, #tpu.memory_space<vmem>>
    %dma_wait3A_73 = arith.constant 0 : i32
    %dma_wait3A_74 = tpu.memref_slice %arg6[%dma_wait3A, %dma_wait3A_73] : memref<2x128xi32, #tpu.memory_space<vmem>> -> memref<1x128xi32, #tpu.memory_space<vmem>>
    %dma_wait3A_75 = tpu.memref_squeeze %dma_wait3A_74 : memref<1x128xi32, #tpu.memory_space<vmem>> -> memref<128xi32, #tpu.memory_space<vmem>>
    %dma_wait3A_76 = arith.constant 0 : i32
    %dma_wait3A_77 = arith.constant 0 : i32
    %dma_wait3A_78 = tpu.memref_slice %arg2[%dma_wait3A_76, %dma_wait3A_77] : memref<15360x128xf32, #tpu.memory_space<hbm>> -> memref<15360x128xf32, #tpu.memory_space<hbm>>
    tpu.wait_indirect_dma semaphore(%arg15 : memref<!tpu.dma_semaphore, #tpu.memory_space<semaphore_mem>>) src(%dma_wait3A_78 : memref<15360x128xf32, #tpu.memory_space<hbm>>) dst(%dma_wait3A_72 : memref<128x128xf32, #tpu.memory_space<vmem>>)
    %dma_wait3A_79 = arith.constant 1 : i32
    %dma_wait3A_80 = arith.constant 128 : i32
    %dma_wait3A_81 = arith.constant 0 : i32
    %dma_wait3A_82 = tpu.memref_slice %arg12[%dma_wait3A_80, %dma_wait3A_81] : memref<256x128xf32, #tpu.memory_space<vmem>> -> memref<128x128xf32, #tpu.memory_space<vmem>>
    %dma_wait3A_83 = arith.constant 0 : i32
    %dma_wait3A_84 = tpu.memref_slice %arg6[%dma_wait3A_79, %dma_wait3A_83] : memref<2x128xi32, #tpu.memory_space<vmem>> -> memref<1x128xi32, #tpu.memory_space<vmem>>
    %dma_wait3A_85 = tpu.memref_squeeze %dma_wait3A_84 : memref<1x128xi32, #tpu.memory_space<vmem>> -> memref<128xi32, #tpu.memory_space<vmem>>
    %dma_wait3A_86 = arith.constant 0 : i32
    %dma_wait3A_87 = arith.constant 0 : i32
    %dma_wait3A_88 = tpu.memref_slice %arg2[%dma_wait3A_86, %dma_wait3A_87] : memref<15360x128xf32, #tpu.memory_space<hbm>> -> memref<15360x128xf32, #tpu.memory_space<hbm>>
    tpu.wait_indirect_dma semaphore(%arg15 : memref<!tpu.dma_semaphore, #tpu.memory_space<semaphore_mem>>) src(%dma_wait3A_88 : memref<15360x128xf32, #tpu.memory_space<hbm>>) dst(%dma_wait3A_82 : memref<128x128xf32, #tpu.memory_space<vmem>>)
    "tpu.region"() ({
      %run_scoped3A = tpu.sem_alloc : memref<!tpu.dma_semaphore, #tpu.memory_space<semaphore_mem>>
      %dma_start3A_132 = arith.constant 0 : i32
      %dma_start3A_133 = arith.constant 0 : i32
      %dma_start3A_134 = tpu.memref_slice %arg12[%dma_start3A_132, %dma_start3A_133] : memref<256x128xf32, #tpu.memory_space<vmem>> -> memref<128x128xf32, #tpu.memory_space<vmem>>
      %dma_start3A_135 = arith.constant 0 : i32
      %dma_start3A_136 = arith.constant 0 : i32
      %dma_start3A_137 = tpu.memref_slice %arg14[%dma_start3A_135, %dma_start3A_136] : memref<7688x128xf32, #tpu.memory_space<vmem_shared>> -> memref<7688x128xf32, #tpu.memory_space<vmem_shared>>
      tpu.enqueue_indirect_dma source(%dma_start3A_134 : memref<128x128xf32, #tpu.memory_space<vmem>>) target(%dma_start3A_137 : memref<7688x128xf32, #tpu.memory_space<vmem_shared>>) offsets(%arg8 : memref<128xi32, #tpu.memory_space<vmem>>) semaphore(%run_scoped3A : memref<!tpu.dma_semaphore, #tpu.memory_space<semaphore_mem>>) {add = true}
      %dma_wait3A_138 = arith.constant 0 : i32
      %dma_wait3A_139 = arith.constant 0 : i32
      %dma_wait3A_140 = tpu.memref_slice %arg12[%dma_wait3A_138, %dma_wait3A_139] : memref<256x128xf32, #tpu.memory_space<vmem>> -> memref<128x128xf32, #tpu.memory_space<vmem>>
      %dma_wait3A_141 = arith.constant 0 : i32
      %dma_wait3A_142 = arith.constant 0 : i32
      %dma_wait3A_143 = tpu.memref_slice %arg14[%dma_wait3A_141, %dma_wait3A_142] : memref<7688x128xf32, #tpu.memory_space<vmem_shared>> -> memref<7688x128xf32, #tpu.memory_space<vmem_shared>>
      tpu.wait_indirect_dma semaphore(%run_scoped3A : memref<!tpu.dma_semaphore, #tpu.memory_space<semaphore_mem>>) src(%dma_wait3A_140 : memref<128x128xf32, #tpu.memory_space<vmem>>) dst(%dma_wait3A_143 : memref<7688x128xf32, #tpu.memory_space<vmem_shared>>)
      tpu.yield
    }) : () -> ()
    "tpu.region"() ({
      %run_scoped3A = tpu.sem_alloc : memref<!tpu.dma_semaphore, #tpu.memory_space<semaphore_mem>>
      %dma_start3A_132 = arith.constant 128 : i32
      %dma_start3A_133 = arith.constant 0 : i32
      %dma_start3A_134 = tpu.memref_slice %arg12[%dma_start3A_132, %dma_start3A_133] : memref<256x128xf32, #tpu.memory_space<vmem>> -> memref<128x128xf32, #tpu.memory_space<vmem>>
      %dma_start3A_135 = arith.constant 0 : i32
      %dma_start3A_136 = arith.constant 0 : i32
      %dma_start3A_137 = tpu.memref_slice %arg14[%dma_start3A_135, %dma_start3A_136] : memref<7688x128xf32, #tpu.memory_space<vmem_shared>> -> memref<7688x128xf32, #tpu.memory_space<vmem_shared>>
      tpu.enqueue_indirect_dma source(%dma_start3A_134 : memref<128x128xf32, #tpu.memory_space<vmem>>) target(%dma_start3A_137 : memref<7688x128xf32, #tpu.memory_space<vmem_shared>>) offsets(%arg9 : memref<128xi32, #tpu.memory_space<vmem>>) semaphore(%run_scoped3A : memref<!tpu.dma_semaphore, #tpu.memory_space<semaphore_mem>>) {add = true}
      %dma_wait3A_138 = arith.constant 128 : i32
      %dma_wait3A_139 = arith.constant 0 : i32
      %dma_wait3A_140 = tpu.memref_slice %arg12[%dma_wait3A_138, %dma_wait3A_139] : memref<256x128xf32, #tpu.memory_space<vmem>> -> memref<128x128xf32, #tpu.memory_space<vmem>>
      %dma_wait3A_141 = arith.constant 0 : i32
      %dma_wait3A_142 = arith.constant 0 : i32
      %dma_wait3A_143 = tpu.memref_slice %arg14[%dma_wait3A_141, %dma_wait3A_142] : memref<7688x128xf32, #tpu.memory_space<vmem_shared>> -> memref<7688x128xf32, #tpu.memory_space<vmem_shared>>
      tpu.wait_indirect_dma semaphore(%run_scoped3A : memref<!tpu.dma_semaphore, #tpu.memory_space<semaphore_mem>>) src(%dma_wait3A_140 : memref<128x128xf32, #tpu.memory_space<vmem>>) dst(%dma_wait3A_143 : memref<7688x128xf32, #tpu.memory_space<vmem_shared>>)
      tpu.yield
    }) : () -> ()
    %add3A_89 = arith.constant 236 : i32
    %add3A_90 = arith.addi %add3A_14, %add3A_89 : i32
    %add3A_91 = arith.constant 2 : i32
    %add3A_92 = arith.addi %add3A_90, %add3A_91 : i32
    "tpu.region"() ({
      %run_scoped3A = tpu.sem_alloc : memref<!tpu.dma_semaphore, #tpu.memory_space<semaphore_mem>>
      %dma_start3A_132 = arith.constant 0 : i32
      %dma_start3A_133 = tpu.memref_slice %arg4[%add3A_92, %dma_start3A_132] : memref<7680x128xi32, #tpu.memory_space<hbm>> -> memref<1x128xi32, #tpu.memory_space<hbm>>
      %dma_start3A_134 = tpu.memref_squeeze %dma_start3A_133 : memref<1x128xi32, #tpu.memory_space<hbm>> -> memref<128xi32, #tpu.memory_space<hbm>>
      %dma_start3A_135 = arith.constant 0 : i32
      %dma_start3A_136 = tpu.memref_slice %arg4[%add3A_92, %dma_start3A_135] : memref<7680x128xi32, #tpu.memory_space<hbm>> -> memref<1x128xi32, #tpu.memory_space<hbm>>
      %dma_start3A_137 = tpu.memref_squeeze %dma_start3A_136 : memref<1x128xi32, #tpu.memory_space<hbm>> -> memref<128xi32, #tpu.memory_space<hbm>>
      tpu.enqueue_dma source(%dma_start3A_137 : memref<128xi32, #tpu.memory_space<hbm>>) target(%arg10 : memref<128xi32, #tpu.memory_space<vmem>>) target_semaphore(%run_scoped3A : memref<!tpu.dma_semaphore, #tpu.memory_space<semaphore_mem>>)
      %dma_wait3A_138 = arith.constant 0 : i32
      %dma_wait3A_139 = tpu.memref_slice %arg4[%add3A_92, %dma_wait3A_138] : memref<7680x128xi32, #tpu.memory_space<hbm>> -> memref<1x128xi32, #tpu.memory_space<hbm>>
      %dma_wait3A_140 = tpu.memref_squeeze %dma_wait3A_139 : memref<1x128xi32, #tpu.memory_space<hbm>> -> memref<128xi32, #tpu.memory_space<hbm>>
      %dma_wait3A_141 = arith.constant 0 : i32
      %dma_wait3A_142 = tpu.memref_slice %arg4[%add3A_92, %dma_wait3A_141] : memref<7680x128xi32, #tpu.memory_space<hbm>> -> memref<1x128xi32, #tpu.memory_space<hbm>>
      %dma_wait3A_143 = tpu.memref_squeeze %dma_wait3A_142 : memref<1x128xi32, #tpu.memory_space<hbm>> -> memref<128xi32, #tpu.memory_space<hbm>>
      tpu.wait_dma2 semaphore(%run_scoped3A : memref<!tpu.dma_semaphore, #tpu.memory_space<semaphore_mem>>) src(%dma_wait3A_143 : memref<128xi32, #tpu.memory_space<hbm>>) dst(%arg10 : memref<128xi32, #tpu.memory_space<vmem>>)
      tpu.yield
    }) : () -> ()
    %add3A_93 = arith.constant 236 : i32
    %add3A_94 = arith.addi %add3A_14, %add3A_93 : i32
    %add3A_95 = arith.constant 3 : i32
    %add3A_96 = arith.addi %add3A_94, %add3A_95 : i32
    "tpu.region"() ({
      %run_scoped3A = tpu.sem_alloc : memref<!tpu.dma_semaphore, #tpu.memory_space<semaphore_mem>>
      %dma_start3A_132 = arith.constant 0 : i32
      %dma_start3A_133 = tpu.memref_slice %arg4[%add3A_96, %dma_start3A_132] : memref<7680x128xi32, #tpu.memory_space<hbm>> -> memref<1x128xi32, #tpu.memory_space<hbm>>
      %dma_start3A_134 = tpu.memref_squeeze %dma_start3A_133 : memref<1x128xi32, #tpu.memory_space<hbm>> -> memref<128xi32, #tpu.memory_space<hbm>>
      %dma_start3A_135 = arith.constant 0 : i32
      %dma_start3A_136 = tpu.memref_slice %arg4[%add3A_96, %dma_start3A_135] : memref<7680x128xi32, #tpu.memory_space<hbm>> -> memref<1x128xi32, #tpu.memory_space<hbm>>
      %dma_start3A_137 = tpu.memref_squeeze %dma_start3A_136 : memref<1x128xi32, #tpu.memory_space<hbm>> -> memref<128xi32, #tpu.memory_space<hbm>>
      tpu.enqueue_dma source(%dma_start3A_137 : memref<128xi32, #tpu.memory_space<hbm>>) target(%arg11 : memref<128xi32, #tpu.memory_space<vmem>>) target_semaphore(%run_scoped3A : memref<!tpu.dma_semaphore, #tpu.memory_space<semaphore_mem>>)
      %dma_wait3A_138 = arith.constant 0 : i32
      %dma_wait3A_139 = tpu.memref_slice %arg4[%add3A_96, %dma_wait3A_138] : memref<7680x128xi32, #tpu.memory_space<hbm>> -> memref<1x128xi32, #tpu.memory_space<hbm>>
      %dma_wait3A_140 = tpu.memref_squeeze %dma_wait3A_139 : memref<1x128xi32, #tpu.memory_space<hbm>> -> memref<128xi32, #tpu.memory_space<hbm>>
      %dma_wait3A_141 = arith.constant 0 : i32
      %dma_wait3A_142 = tpu.memref_slice %arg4[%add3A_96, %dma_wait3A_141] : memref<7680x128xi32, #tpu.memory_space<hbm>> -> memref<1x128xi32, #tpu.memory_space<hbm>>
      %dma_wait3A_143 = tpu.memref_squeeze %dma_wait3A_142 : memref<1x128xi32, #tpu.memory_space<hbm>> -> memref<128xi32, #tpu.memory_space<hbm>>
      tpu.wait_dma2 semaphore(%run_scoped3A : memref<!tpu.dma_semaphore, #tpu.memory_space<semaphore_mem>>) src(%dma_wait3A_143 : memref<128xi32, #tpu.memory_space<hbm>>) dst(%arg11 : memref<128xi32, #tpu.memory_space<vmem>>)
      tpu.yield
    }) : () -> ()
    %dma_wait3A_97 = arith.constant 0 : i32
    %dma_wait3A_98 = arith.constant 0 : i32
    %dma_wait3A_99 = arith.constant 0 : i32
    %dma_wait3A_100 = tpu.memref_slice %arg13[%dma_wait3A_98, %dma_wait3A_99] : memref<256x128xf32, #tpu.memory_space<vmem>> -> memref<128x128xf32, #tpu.memory_space<vmem>>
    %dma_wait3A_101 = arith.constant 0 : i32
    %dma_wait3A_102 = tpu.memref_slice %arg7[%dma_wait3A_97, %dma_wait3A_101] : memref<2x128xi32, #tpu.memory_space<vmem>> -> memref<1x128xi32, #tpu.memory_space<vmem>>
    %dma_wait3A_103 = tpu.memref_squeeze %dma_wait3A_102 : memref<1x128xi32, #tpu.memory_space<vmem>> -> memref<128xi32, #tpu.memory_space<vmem>>
    %dma_wait3A_104 = arith.constant 0 : i32
    %dma_wait3A_105 = arith.constant 0 : i32
    %dma_wait3A_106 = tpu.memref_slice %arg2[%dma_wait3A_104, %dma_wait3A_105] : memref<15360x128xf32, #tpu.memory_space<hbm>> -> memref<15360x128xf32, #tpu.memory_space<hbm>>
    tpu.wait_indirect_dma semaphore(%arg16 : memref<!tpu.dma_semaphore, #tpu.memory_space<semaphore_mem>>) src(%dma_wait3A_106 : memref<15360x128xf32, #tpu.memory_space<hbm>>) dst(%dma_wait3A_100 : memref<128x128xf32, #tpu.memory_space<vmem>>)
    %dma_wait3A_107 = arith.constant 1 : i32
    %dma_wait3A_108 = arith.constant 128 : i32
    %dma_wait3A_109 = arith.constant 0 : i32
    %dma_wait3A_110 = tpu.memref_slice %arg13[%dma_wait3A_108, %dma_wait3A_109] : memref<256x128xf32, #tpu.memory_space<vmem>> -> memref<128x128xf32, #tpu.memory_space<vmem>>
    %dma_wait3A_111 = arith.constant 0 : i32
    %dma_wait3A_112 = tpu.memref_slice %arg7[%dma_wait3A_107, %dma_wait3A_111] : memref<2x128xi32, #tpu.memory_space<vmem>> -> memref<1x128xi32, #tpu.memory_space<vmem>>
    %dma_wait3A_113 = tpu.memref_squeeze %dma_wait3A_112 : memref<1x128xi32, #tpu.memory_space<vmem>> -> memref<128xi32, #tpu.memory_space<vmem>>
    %dma_wait3A_114 = arith.constant 0 : i32
    %dma_wait3A_115 = arith.constant 0 : i32
    %dma_wait3A_116 = tpu.memref_slice %arg2[%dma_wait3A_114, %dma_wait3A_115] : memref<15360x128xf32, #tpu.memory_space<hbm>> -> memref<15360x128xf32, #tpu.memory_space<hbm>>
    tpu.wait_indirect_dma semaphore(%arg16 : memref<!tpu.dma_semaphore, #tpu.memory_space<semaphore_mem>>) src(%dma_wait3A_116 : memref<15360x128xf32, #tpu.memory_space<hbm>>) dst(%dma_wait3A_110 : memref<128x128xf32, #tpu.memory_space<vmem>>)
    "tpu.region"() ({
      %run_scoped3A = tpu.sem_alloc : memref<!tpu.dma_semaphore, #tpu.memory_space<semaphore_mem>>
      %dma_start3A_132 = arith.constant 0 : i32
      %dma_start3A_133 = arith.constant 0 : i32
      %dma_start3A_134 = tpu.memref_slice %arg13[%dma_start3A_132, %dma_start3A_133] : memref<256x128xf32, #tpu.memory_space<vmem>> -> memref<128x128xf32, #tpu.memory_space<vmem>>
      %dma_start3A_135 = arith.constant 0 : i32
      %dma_start3A_136 = arith.constant 0 : i32
      %dma_start3A_137 = tpu.memref_slice %arg14[%dma_start3A_135, %dma_start3A_136] : memref<7688x128xf32, #tpu.memory_space<vmem_shared>> -> memref<7688x128xf32, #tpu.memory_space<vmem_shared>>
      tpu.enqueue_indirect_dma source(%dma_start3A_134 : memref<128x128xf32, #tpu.memory_space<vmem>>) target(%dma_start3A_137 : memref<7688x128xf32, #tpu.memory_space<vmem_shared>>) offsets(%arg10 : memref<128xi32, #tpu.memory_space<vmem>>) semaphore(%run_scoped3A : memref<!tpu.dma_semaphore, #tpu.memory_space<semaphore_mem>>) {add = true}
      %dma_wait3A_138 = arith.constant 0 : i32
      %dma_wait3A_139 = arith.constant 0 : i32
      %dma_wait3A_140 = tpu.memref_slice %arg13[%dma_wait3A_138, %dma_wait3A_139] : memref<256x128xf32, #tpu.memory_space<vmem>> -> memref<128x128xf32, #tpu.memory_space<vmem>>
      %dma_wait3A_141 = arith.constant 0 : i32
      %dma_wait3A_142 = arith.constant 0 : i32
      %dma_wait3A_143 = tpu.memref_slice %arg14[%dma_wait3A_141, %dma_wait3A_142] : memref<7688x128xf32, #tpu.memory_space<vmem_shared>> -> memref<7688x128xf32, #tpu.memory_space<vmem_shared>>
      tpu.wait_indirect_dma semaphore(%run_scoped3A : memref<!tpu.dma_semaphore, #tpu.memory_space<semaphore_mem>>) src(%dma_wait3A_140 : memref<128x128xf32, #tpu.memory_space<vmem>>) dst(%dma_wait3A_143 : memref<7688x128xf32, #tpu.memory_space<vmem_shared>>)
      tpu.yield
    }) : () -> ()
    "tpu.region"() ({
      %run_scoped3A = tpu.sem_alloc : memref<!tpu.dma_semaphore, #tpu.memory_space<semaphore_mem>>
      %dma_start3A_132 = arith.constant 128 : i32
      %dma_start3A_133 = arith.constant 0 : i32
      %dma_start3A_134 = tpu.memref_slice %arg13[%dma_start3A_132, %dma_start3A_133] : memref<256x128xf32, #tpu.memory_space<vmem>> -> memref<128x128xf32, #tpu.memory_space<vmem>>
      %dma_start3A_135 = arith.constant 0 : i32
      %dma_start3A_136 = arith.constant 0 : i32
      %dma_start3A_137 = tpu.memref_slice %arg14[%dma_start3A_135, %dma_start3A_136] : memref<7688x128xf32, #tpu.memory_space<vmem_shared>> -> memref<7688x128xf32, #tpu.memory_space<vmem_shared>>
      tpu.enqueue_indirect_dma source(%dma_start3A_134 : memref<128x128xf32, #tpu.memory_space<vmem>>) target(%dma_start3A_137 : memref<7688x128xf32, #tpu.memory_space<vmem_shared>>) offsets(%arg11 : memref<128xi32, #tpu.memory_space<vmem>>) semaphore(%run_scoped3A : memref<!tpu.dma_semaphore, #tpu.memory_space<semaphore_mem>>) {add = true}
      %dma_wait3A_138 = arith.constant 128 : i32
      %dma_wait3A_139 = arith.constant 0 : i32
      %dma_wait3A_140 = tpu.memref_slice %arg13[%dma_wait3A_138, %dma_wait3A_139] : memref<256x128xf32, #tpu.memory_space<vmem>> -> memref<128x128xf32, #tpu.memory_space<vmem>>
      %dma_wait3A_141 = arith.constant 0 : i32
      %dma_wait3A_142 = arith.constant 0 : i32
      %dma_wait3A_143 = tpu.memref_slice %arg14[%dma_wait3A_141, %dma_wait3A_142] : memref<7688x128xf32, #tpu.memory_space<vmem_shared>> -> memref<7688x128xf32, #tpu.memory_space<vmem_shared>>
      tpu.wait_indirect_dma semaphore(%run_scoped3A : memref<!tpu.dma_semaphore, #tpu.memory_space<semaphore_mem>>) src(%dma_wait3A_140 : memref<128x128xf32, #tpu.memory_space<vmem>>) dst(%dma_wait3A_143 : memref<7688x128xf32, #tpu.memory_space<vmem_shared>>)
      tpu.yield
    }) : () -> ()
    %barrier3A_117 = arith.constant 0 : index
    tpu.barrier barrier_id(%barrier3A_117)
    %add3A_118 = arith.constant 0 : i32
    %add3A_119 = arith.addi %mul3A_6, %add3A_118 : i32
    "tpu.region"() ({
      %run_scoped3A = tpu.sem_alloc : memref<!tpu.dma_semaphore, #tpu.memory_space<semaphore_mem>>
      %dma_start3A_132 = arith.constant 0 : i32
      %dma_start3A_133 = arith.constant 0 : i32
      %dma_start3A_134 = tpu.memref_slice %arg12[%dma_start3A_132, %dma_start3A_133] : memref<256x128xf32, #tpu.memory_space<vmem>> -> memref<240x128xf32, #tpu.memory_space<vmem>>
      %dma_start3A_135 = arith.constant 0 : i32
      %dma_start3A_136 = tpu.memref_slice %arg14[%add3A_119, %dma_start3A_135] : memref<7688x128xf32, #tpu.memory_space<vmem_shared>> -> memref<240x128xf32, #tpu.memory_space<vmem_shared>>
      %dma_start3A_137 = arith.constant 0 : i32
      %dma_start3A_138 = arith.constant 0 : i32
      %dma_start3A_139 = tpu.memref_slice %arg12[%dma_start3A_137, %dma_start3A_138] : memref<256x128xf32, #tpu.memory_space<vmem>> -> memref<240x128xf32, #tpu.memory_space<vmem>>
      %dma_start3A_140 = arith.constant 0 : i32
      %dma_start3A_141 = tpu.memref_slice %arg14[%add3A_119, %dma_start3A_140] : memref<7688x128xf32, #tpu.memory_space<vmem_shared>> -> memref<240x128xf32, #tpu.memory_space<vmem_shared>>
      tpu.enqueue_dma source(%dma_start3A_141 : memref<240x128xf32, #tpu.memory_space<vmem_shared>>) target(%dma_start3A_139 : memref<240x128xf32, #tpu.memory_space<vmem>>) target_semaphore(%run_scoped3A : memref<!tpu.dma_semaphore, #tpu.memory_space<semaphore_mem>>)
      %dma_wait3A_142 = arith.constant 0 : i32
      %dma_wait3A_143 = arith.constant 0 : i32
      %dma_wait3A_144 = tpu.memref_slice %arg12[%dma_wait3A_142, %dma_wait3A_143] : memref<256x128xf32, #tpu.memory_space<vmem>> -> memref<240x128xf32, #tpu.memory_space<vmem>>
      %dma_wait3A_145 = arith.constant 0 : i32
      %dma_wait3A_146 = tpu.memref_slice %arg14[%add3A_119, %dma_wait3A_145] : memref<7688x128xf32, #tpu.memory_space<vmem_shared>> -> memref<240x128xf32, #tpu.memory_space<vmem_shared>>
      %dma_wait3A_147 = arith.constant 0 : i32
      %dma_wait3A_148 = arith.constant 0 : i32
      %dma_wait3A_149 = tpu.memref_slice %arg12[%dma_wait3A_147, %dma_wait3A_148] : memref<256x128xf32, #tpu.memory_space<vmem>> -> memref<240x128xf32, #tpu.memory_space<vmem>>
      %dma_wait3A_150 = arith.constant 0 : i32
      %dma_wait3A_151 = tpu.memref_slice %arg14[%add3A_119, %dma_wait3A_150] : memref<7688x128xf32, #tpu.memory_space<vmem_shared>> -> memref<240x128xf32, #tpu.memory_space<vmem_shared>>
      tpu.wait_dma2 semaphore(%run_scoped3A : memref<!tpu.dma_semaphore, #tpu.memory_space<semaphore_mem>>) src(%dma_wait3A_151 : memref<240x128xf32, #tpu.memory_space<vmem_shared>>) dst(%dma_wait3A_149 : memref<240x128xf32, #tpu.memory_space<vmem>>)
      tpu.yield
    }) : () -> ()
    %mul3A_120 = arith.constant 7680 : i32
    %mul3A_121 = arith.muli %arg0, %mul3A_120 : i32
    %add3A_122 = arith.addi %mul3A_121, %mul3A_6 : i32
    %add3A_123 = arith.constant 0 : i32
    %add3A_124 = arith.addi %add3A_122, %add3A_123 : i32
    "tpu.region"() ({
      %run_scoped3A = tpu.sem_alloc : memref<!tpu.dma_semaphore, #tpu.memory_space<semaphore_mem>>
      %dma_start3A_132 = arith.constant 0 : i32
      %dma_start3A_133 = arith.constant 0 : i32
      %dma_start3A_134 = tpu.memref_slice %arg12[%dma_start3A_132, %dma_start3A_133] : memref<256x128xf32, #tpu.memory_space<vmem>> -> memref<240x128xf32, #tpu.memory_space<vmem>>
      %dma_start3A_135 = arith.constant 0 : i32
      %dma_start3A_136 = tpu.memref_slice %arg5[%add3A_124, %dma_start3A_135] : memref<15360x128xf32, #tpu.memory_space<hbm>> -> memref<240x128xf32, #tpu.memory_space<hbm>>
      %dma_start3A_137 = arith.constant 0 : i32
      %dma_start3A_138 = tpu.memref_slice %arg5[%add3A_124, %dma_start3A_137] : memref<15360x128xf32, #tpu.memory_space<hbm>> -> memref<240x128xf32, #tpu.memory_space<hbm>>
      %dma_start3A_139 = arith.constant 0 : i32
      %dma_start3A_140 = arith.constant 0 : i32
      %dma_start3A_141 = tpu.memref_slice %arg12[%dma_start3A_139, %dma_start3A_140] : memref<256x128xf32, #tpu.memory_space<vmem>> -> memref<240x128xf32, #tpu.memory_space<vmem>>
      tpu.enqueue_dma source(%dma_start3A_141 : memref<240x128xf32, #tpu.memory_space<vmem>>) target(%dma_start3A_138 : memref<240x128xf32, #tpu.memory_space<hbm>>) target_semaphore(%run_scoped3A : memref<!tpu.dma_semaphore, #tpu.memory_space<semaphore_mem>>)
      %dma_wait3A_142 = arith.constant 0 : i32
      %dma_wait3A_143 = arith.constant 0 : i32
      %dma_wait3A_144 = tpu.memref_slice %arg12[%dma_wait3A_142, %dma_wait3A_143] : memref<256x128xf32, #tpu.memory_space<vmem>> -> memref<240x128xf32, #tpu.memory_space<vmem>>
      %dma_wait3A_145 = arith.constant 0 : i32
      %dma_wait3A_146 = tpu.memref_slice %arg5[%add3A_124, %dma_wait3A_145] : memref<15360x128xf32, #tpu.memory_space<hbm>> -> memref<240x128xf32, #tpu.memory_space<hbm>>
      %dma_wait3A_147 = arith.constant 0 : i32
      %dma_wait3A_148 = tpu.memref_slice %arg5[%add3A_124, %dma_wait3A_147] : memref<15360x128xf32, #tpu.memory_space<hbm>> -> memref<240x128xf32, #tpu.memory_space<hbm>>
      %dma_wait3A_149 = arith.constant 0 : i32
      %dma_wait3A_150 = arith.constant 0 : i32
      %dma_wait3A_151 = tpu.memref_slice %arg12[%dma_wait3A_149, %dma_wait3A_150] : memref<256x128xf32, #tpu.memory_space<vmem>> -> memref<240x128xf32, #tpu.memory_space<vmem>>
      tpu.wait_dma2 semaphore(%run_scoped3A : memref<!tpu.dma_semaphore, #tpu.memory_space<semaphore_mem>>) src(%dma_wait3A_151 : memref<240x128xf32, #tpu.memory_space<vmem>>) dst(%dma_wait3A_148 : memref<240x128xf32, #tpu.memory_space<hbm>>)
      tpu.yield
    }) : () -> ()
    %add3A_125 = arith.constant 240 : i32
    %add3A_126 = arith.addi %mul3A_6, %add3A_125 : i32
    "tpu.region"() ({
      %run_scoped3A = tpu.sem_alloc : memref<!tpu.dma_semaphore, #tpu.memory_space<semaphore_mem>>
      %dma_start3A_132 = arith.constant 0 : i32
      %dma_start3A_133 = arith.constant 0 : i32
      %dma_start3A_134 = tpu.memref_slice %arg12[%dma_start3A_132, %dma_start3A_133] : memref<256x128xf32, #tpu.memory_space<vmem>> -> memref<240x128xf32, #tpu.memory_space<vmem>>
      %dma_start3A_135 = arith.constant 0 : i32
      %dma_start3A_136 = tpu.memref_slice %arg14[%add3A_126, %dma_start3A_135] : memref<7688x128xf32, #tpu.memory_space<vmem_shared>> -> memref<240x128xf32, #tpu.memory_space<vmem_shared>>
      %dma_start3A_137 = arith.constant 0 : i32
      %dma_start3A_138 = arith.constant 0 : i32
      %dma_start3A_139 = tpu.memref_slice %arg12[%dma_start3A_137, %dma_start3A_138] : memref<256x128xf32, #tpu.memory_space<vmem>> -> memref<240x128xf32, #tpu.memory_space<vmem>>
      %dma_start3A_140 = arith.constant 0 : i32
      %dma_start3A_141 = tpu.memref_slice %arg14[%add3A_126, %dma_start3A_140] : memref<7688x128xf32, #tpu.memory_space<vmem_shared>> -> memref<240x128xf32, #tpu.memory_space<vmem_shared>>
      tpu.enqueue_dma source(%dma_start3A_141 : memref<240x128xf32, #tpu.memory_space<vmem_shared>>) target(%dma_start3A_139 : memref<240x128xf32, #tpu.memory_space<vmem>>) target_semaphore(%run_scoped3A : memref<!tpu.dma_semaphore, #tpu.memory_space<semaphore_mem>>)
      %dma_wait3A_142 = arith.constant 0 : i32
      %dma_wait3A_143 = arith.constant 0 : i32
      %dma_wait3A_144 = tpu.memref_slice %arg12[%dma_wait3A_142, %dma_wait3A_143] : memref<256x128xf32, #tpu.memory_space<vmem>> -> memref<240x128xf32, #tpu.memory_space<vmem>>
      %dma_wait3A_145 = arith.constant 0 : i32
      %dma_wait3A_146 = tpu.memref_slice %arg14[%add3A_126, %dma_wait3A_145] : memref<7688x128xf32, #tpu.memory_space<vmem_shared>> -> memref<240x128xf32, #tpu.memory_space<vmem_shared>>
      %dma_wait3A_147 = arith.constant 0 : i32
      %dma_wait3A_148 = arith.constant 0 : i32
      %dma_wait3A_149 = tpu.memref_slice %arg12[%dma_wait3A_147, %dma_wait3A_148] : memref<256x128xf32, #tpu.memory_space<vmem>> -> memref<240x128xf32, #tpu.memory_space<vmem>>
      %dma_wait3A_150 = arith.constant 0 : i32
      %dma_wait3A_151 = tpu.memref_slice %arg14[%add3A_126, %dma_wait3A_150] : memref<7688x128xf32, #tpu.memory_space<vmem_shared>> -> memref<240x128xf32, #tpu.memory_space<vmem_shared>>
      tpu.wait_dma2 semaphore(%run_scoped3A : memref<!tpu.dma_semaphore, #tpu.memory_space<semaphore_mem>>) src(%dma_wait3A_151 : memref<240x128xf32, #tpu.memory_space<vmem_shared>>) dst(%dma_wait3A_149 : memref<240x128xf32, #tpu.memory_space<vmem>>)
      tpu.yield
    }) : () -> ()
    %mul3A_127 = arith.constant 7680 : i32
    %mul3A_128 = arith.muli %arg0, %mul3A_127 : i32
    %add3A_129 = arith.addi %mul3A_128, %mul3A_6 : i32
    %add3A_130 = arith.constant 240 : i32
    %add3A_131 = arith.addi %add3A_129, %add3A_130 : i32
    "tpu.region"() ({
      %run_scoped3A = tpu.sem_alloc : memref<!tpu.dma_semaphore, #tpu.memory_space<semaphore_mem>>
      %dma_start3A_132 = arith.constant 0 : i32
      %dma_start3A_133 = arith.constant 0 : i32
      %dma_start3A_134 = tpu.memref_slice %arg12[%dma_start3A_132, %dma_start3A_133] : memref<256x128xf32, #tpu.memory_space<vmem>> -> memref<240x128xf32, #tpu.memory_space<vmem>>
      %dma_start3A_135 = arith.constant 0 : i32
      %dma_start3A_136 = tpu.memref_slice %arg5[%add3A_131, %dma_start3A_135] : memref<15360x128xf32, #tpu.memory_space<hbm>> -> memref<240x128xf32, #tpu.memory_space<hbm>>
      %dma_start3A_137 = arith.constant 0 : i32
      %dma_start3A_138 = tpu.memref_slice %arg5[%add3A_131, %dma_start3A_137] : memref<15360x128xf32, #tpu.memory_space<hbm>> -> memref<240x128xf32, #tpu.memory_space<hbm>>
      %dma_start3A_139 = arith.constant 0 : i32
      %dma_start3A_140 = arith.constant 0 : i32
      %dma_start3A_141 = tpu.memref_slice %arg12[%dma_start3A_139, %dma_start3A_140] : memref<256x128xf32, #tpu.memory_space<vmem>> -> memref<240x128xf32, #tpu.memory_space<vmem>>
      tpu.enqueue_dma source(%dma_start3A_141 : memref<240x128xf32, #tpu.memory_space<vmem>>) target(%dma_start3A_138 : memref<240x128xf32, #tpu.memory_space<hbm>>) target_semaphore(%run_scoped3A : memref<!tpu.dma_semaphore, #tpu.memory_space<semaphore_mem>>)
      %dma_wait3A_142 = arith.constant 0 : i32
      %dma_wait3A_143 = arith.constant 0 : i32
      %dma_wait3A_144 = tpu.memref_slice %arg12[%dma_wait3A_142, %dma_wait3A_143] : memref<256x128xf32, #tpu.memory_space<vmem>> -> memref<240x128xf32, #tpu.memory_space<vmem>>
      %dma_wait3A_145 = arith.constant 0 : i32
      %dma_wait3A_146 = tpu.memref_slice %arg5[%add3A_131, %dma_wait3A_145] : memref<15360x128xf32, #tpu.memory_space<hbm>> -> memref<240x128xf32, #tpu.memory_space<hbm>>
      %dma_wait3A_147 = arith.constant 0 : i32
      %dma_wait3A_148 = tpu.memref_slice %arg5[%add3A_131, %dma_wait3A_147] : memref<15360x128xf32, #tpu.memory_space<hbm>> -> memref<240x128xf32, #tpu.memory_space<hbm>>
      %dma_wait3A_149 = arith.constant 0 : i32
      %dma_wait3A_150 = arith.constant 0 : i32
      %dma_wait3A_151 = tpu.memref_slice %arg12[%dma_wait3A_149, %dma_wait3A_150] : memref<256x128xf32, #tpu.memory_space<vmem>> -> memref<240x128xf32, #tpu.memory_space<vmem>>
      tpu.wait_dma2 semaphore(%run_scoped3A : memref<!tpu.dma_semaphore, #tpu.memory_space<semaphore_mem>>) src(%dma_wait3A_151 : memref<240x128xf32, #tpu.memory_space<vmem>>) dst(%dma_wait3A_148 : memref<240x128xf32, #tpu.memory_space<hbm>>)
      tpu.yield
    }) : () -> ()
    return
  }
}

module attributes {stable_mosaic.version = 14 : i64} {
  func.func @_t2_body(%arg0: i32, %arg1: memref<512x128xf32, #tpu.memory_space<vmem>>, %arg2: memref<512x128xf32, #tpu.memory_space<vmem>>, %arg3: memref<512x128xf32, #tpu.memory_space<vmem>>, %arg4: memref<1x128xf32, #tpu.memory_space<vmem>>, %arg5: memref<128x128xf32, #tpu.memory_space<vmem>>, %arg6: memref<512x128xf32, #tpu.memory_space<vmem>>, %arg7: memref<512x128xf32, #tpu.memory_space<vmem>>) attributes {dimension_semantics = [#tpu.dimension_semantics<arbitrary>], iteration_bounds = array<i64: 30>, scalar_prefetch = 0 : i64, scratch_operands = 0 : i64, tpu.core_type = #tpu.core_type<tc>, window_params = [{transform_indices = @transform_0, window_bounds = array<i64: 512, 128>}, {transform_indices = @transform_1, window_bounds = array<i64: 512, 128>}, {transform_indices = @transform_2, window_bounds = array<i64: 512, 128>}, {pipeline_mode = #tpu.pipeline_mode<synchronous>, transform_indices = @transform_3, window_bounds = array<i64: 1, 128>}, {pipeline_mode = #tpu.pipeline_mode<synchronous>, transform_indices = @transform_4, window_bounds = array<i64: 128, 128>}, {transform_indices = @transform_5, window_bounds = array<i64: 512, 128>}, {transform_indices = @transform_6, window_bounds = array<i64: 512, 128>}]} {
    %get3A = arith.constant 0 : index
    %get3A_0 = arith.constant 0 : index
    %get3A_1 = vector.load %arg3[%get3A, %get3A_0] : memref<512x128xf32, #tpu.memory_space<vmem>>, vector<512x128xf32>
    %get3A_2 = arith.constant 0 : index
    %get3A_3 = arith.constant 0 : index
    %get3A_4 = vector.load %arg1[%get3A_2, %get3A_3] : memref<512x128xf32, #tpu.memory_space<vmem>>, vector<512x128xf32>
    %get3A_5 = arith.constant 0 : index
    %get3A_6 = arith.constant 0 : index
    %get3A_7 = vector.load %arg2[%get3A_5, %get3A_6] : memref<512x128xf32, #tpu.memory_space<vmem>>, vector<512x128xf32>
    %add3A = arith.addf %get3A_4, %get3A_7 : vector<512x128xf32>
    %mul3A = arith.mulf %get3A_1, %add3A : vector<512x128xf32>
    %get3A_8 = arith.constant 0 : index
    %get3A_9 = arith.constant 0 : index
    %get3A_10 = vector.load %arg4[%get3A_8, %get3A_9] : memref<1x128xf32, #tpu.memory_space<vmem>>, vector<1x128xf32>
    %add3A_11 = vector.broadcast %get3A_10 : vector<1x128xf32> to vector<512x128xf32>
    %add3A_12 = arith.addf %mul3A, %add3A_11 : vector<512x128xf32>
    %max3A = arith.constant 0.000000e+00 : f32
    %max3A_13 = vector.broadcast %max3A : f32 to vector<512x128xf32>
    %max3A_14 = arith.maximumf %add3A_12, %max3A_13 : vector<512x128xf32>
    %swap3A = arith.constant 0 : index
    %swap3A_15 = arith.constant 0 : index
    %swap3A_16 = vector.load %arg6[%swap3A, %swap3A_15] : memref<512x128xf32, #tpu.memory_space<vmem>>, vector<512x128xf32>
    tpu.vector_store %arg6[%swap3A, %swap3A_15], %max3A_14 {strides = array<i32>} : memref<512x128xf32, #tpu.memory_space<vmem>>, vector<512x128xf32>,
    %get3A_17 = arith.constant 0 : index
    %get3A_18 = arith.constant 0 : index
    %get3A_19 = vector.load %arg5[%get3A_17, %get3A_18] : memref<128x128xf32, #tpu.memory_space<vmem>>, vector<128x128xf32>
    %dot_general3A = arith.constant dense<0.000000e+00> : vector<512x128xf32>
    %dot_general3A_20 = tpu.matmul %max3A_14, %get3A_19, %dot_general3A {dimension_numbers = #tpu.dot_dimension_numbers<[1], [0], [0], [1], [0, 0, 1, 1], [], []>, transpose_lhs_hint = false} : vector<512x128xf32>, vector<128x128xf32>, vector<512x128xf32> -> vector<512x128xf32>
    %get3A_21 = arith.constant 0 : index
    %get3A_22 = arith.constant 0 : index
    %get3A_23 = vector.load %arg3[%get3A_21, %get3A_22] : memref<512x128xf32, #tpu.memory_space<vmem>>, vector<512x128xf32>
    %mul3A_24 = arith.mulf %get3A_23, %dot_general3A_20 : vector<512x128xf32>
    %swap3A_25 = arith.constant 0 : index
    %swap3A_26 = arith.constant 0 : index
    %swap3A_27 = vector.load %arg7[%swap3A_25, %swap3A_26] : memref<512x128xf32, #tpu.memory_space<vmem>>, vector<512x128xf32>
    tpu.vector_store %arg7[%swap3A_25, %swap3A_26], %mul3A_24 {strides = array<i32>} : memref<512x128xf32, #tpu.memory_space<vmem>>, vector<512x128xf32>,
    return
  }
  func.func @transform_0(%arg0: i32) -> (i32, i32) {
    %c0_i32 = arith.constant 0 : i32
    %c0_i32_0 = arith.constant 0 : i32
    return %arg0, %c0_i32 : i32, i32
  }
  func.func @transform_1(%arg0: i32) -> (i32, i32) {
    %c0_i32 = arith.constant 0 : i32
    %c0_i32_0 = arith.constant 0 : i32
    return %arg0, %c0_i32 : i32, i32
  }
  func.func @transform_2(%arg0: i32) -> (i32, i32) {
    %c0_i32 = arith.constant 0 : i32
    %c0_i32_0 = arith.constant 0 : i32
    return %arg0, %c0_i32 : i32, i32
  }
  func.func @transform_3(%arg0: i32) -> (i32, i32) {
    %c0_i32 = arith.constant 0 : i32
    %c0_i32_0 = arith.constant 0 : i32
    %c0_i32_1 = arith.constant 0 : i32
    return %c0_i32, %c0_i32_0 : i32, i32
  }
  func.func @transform_4(%arg0: i32) -> (i32, i32) {
    %c0_i32 = arith.constant 0 : i32
    %c0_i32_0 = arith.constant 0 : i32
    %c0_i32_1 = arith.constant 0 : i32
    return %c0_i32, %c0_i32_0 : i32, i32
  }
  func.func @transform_5(%arg0: i32) -> (i32, i32) {
    %c0_i32 = arith.constant 0 : i32
    %c0_i32_0 = arith.constant 0 : i32
    return %arg0, %c0_i32 : i32, i32
  }
  func.func @transform_6(%arg0: i32) -> (i32, i32) {
    %c0_i32 = arith.constant 0 : i32
    %c0_i32_0 = arith.constant 0 : i32
    return %arg0, %c0_i32 : i32, i32
  }
}

module attributes {stable_mosaic.version = 14 : i64} {
  func.func @_t1_body(%arg0: i32, %arg1: memref<512x256xf32, #tpu.memory_space<vmem>>, %arg2: memref<512x128xf32, #tpu.memory_space<vmem>>, %arg3: memref<256x128xf32, #tpu.memory_space<vmem>>, %arg4: memref<512x128xf32, #tpu.memory_space<vmem>>, %arg5: memref<512x128xf32, #tpu.memory_space<vmem>>) attributes {dimension_semantics = [#tpu.dimension_semantics<arbitrary>], iteration_bounds = array<i64: 30>, scalar_prefetch = 0 : i64, scratch_operands = 0 : i64, tpu.core_type = #tpu.core_type<tc>, window_params = [{transform_indices = @transform_0, window_bounds = array<i64: 512, 256>}, {transform_indices = @transform_1, window_bounds = array<i64: 512, 128>}, {pipeline_mode = #tpu.pipeline_mode<synchronous>, transform_indices = @transform_2, window_bounds = array<i64: 256, 128>}, {transform_indices = @transform_3, window_bounds = array<i64: 512, 128>}, {transform_indices = @transform_4, window_bounds = array<i64: 512, 128>}]} {
    %get3A = arith.constant 0 : index
    %get3A_0 = arith.constant 0 : index
    %get3A_1 = vector.load %arg2[%get3A, %get3A_0] : memref<512x128xf32, #tpu.memory_space<vmem>>, vector<512x128xf32>
    %add3A = arith.constant 1.000000e+00 : f32
    %add3A_2 = vector.broadcast %add3A : f32 to vector<512x128xf32>
    %add3A_3 = arith.addf %get3A_1, %add3A_2 : vector<512x128xf32>
    %rsqrt3A = math.rsqrt %add3A_3 : vector<512x128xf32>
    %get3A_4 = arith.constant 0 : index
    %get3A_5 = arith.constant 0 : index
    %get3A_6 = vector.load %arg1[%get3A_4, %get3A_5] : memref<512x256xf32, #tpu.memory_space<vmem>>, vector<512x256xf32>
    %get3A_7 = arith.constant 0 : index
    %get3A_8 = arith.constant 0 : index
    %get3A_9 = vector.load %arg3[%get3A_7, %get3A_8] : memref<256x128xf32, #tpu.memory_space<vmem>>, vector<256x128xf32>
    %dot_general3A = arith.constant dense<0.000000e+00> : vector<512x128xf32>
    %dot_general3A_10 = tpu.matmul %get3A_6, %get3A_9, %dot_general3A {dimension_numbers = #tpu.dot_dimension_numbers<[1], [0], [0], [1], [0, 0, 1, 1], [], []>, transpose_lhs_hint = false} : vector<512x256xf32>, vector<256x128xf32>, vector<512x128xf32> -> vector<512x128xf32>
    %mul3A = arith.mulf %rsqrt3A, %dot_general3A_10 : vector<512x128xf32>
    %swap3A = arith.constant 0 : index
    %swap3A_11 = arith.constant 0 : index
    %swap3A_12 = vector.load %arg4[%swap3A, %swap3A_11] : memref<512x128xf32, #tpu.memory_space<vmem>>, vector<512x128xf32>
    tpu.vector_store %arg4[%swap3A, %swap3A_11], %mul3A {strides = array<i32>} : memref<512x128xf32, #tpu.memory_space<vmem>>, vector<512x128xf32>,
    %swap3A_13 = arith.constant 0 : index
    %swap3A_14 = arith.constant 0 : index
    %swap3A_15 = vector.load %arg5[%swap3A_13, %swap3A_14] : memref<512x128xf32, #tpu.memory_space<vmem>>, vector<512x128xf32>
    tpu.vector_store %arg5[%swap3A_13, %swap3A_14], %rsqrt3A {strides = array<i32>} : memref<512x128xf32, #tpu.memory_space<vmem>>, vector<512x128xf32>,
    return
  }
  func.func @transform_0(%arg0: i32) -> (i32, i32) {
    %c0_i32 = arith.constant 0 : i32
    %c0_i32_0 = arith.constant 0 : i32
    return %arg0, %c0_i32 : i32, i32
  }
  func.func @transform_1(%arg0: i32) -> (i32, i32) {
    %c0_i32 = arith.constant 0 : i32
    %c0_i32_0 = arith.constant 0 : i32
    return %arg0, %c0_i32 : i32, i32
  }
  func.func @transform_2(%arg0: i32) -> (i32, i32) {
    %c0_i32 = arith.constant 0 : i32
    %c0_i32_0 = arith.constant 0 : i32
    %c0_i32_1 = arith.constant 0 : i32
    return %c0_i32, %c0_i32_0 : i32, i32
  }
  func.func @transform_3(%arg0: i32) -> (i32, i32) {
    %c0_i32 = arith.constant 0 : i32
    %c0_i32_0 = arith.constant 0 : i32
    return %arg0, %c0_i32 : i32, i32
  }
  func.func @transform_4(%arg0: i32) -> (i32, i32) {
    %c0_i32 = arith.constant 0 : i32
    %c0_i32_0 = arith.constant 0 : i32
    return %arg0, %c0_i32 : i32, i32
  }
}

module attributes {stable_mosaic.version = 14 : i64} {
  func.func @_t5_body(%arg0: i32, %arg1: memref<512x128xf32, #tpu.memory_space<vmem>>, %arg2: memref<512x128xf32, #tpu.memory_space<vmem>>, %arg3: memref<512x128xf32, #tpu.memory_space<vmem>>, %arg4: memref<128x8xf32, #tpu.memory_space<vmem>>, %arg5: memref<128x8xf32, #tpu.memory_space<vmem>>, %arg6: memref<128x8xf32, #tpu.memory_space<vmem>>, %arg7: memref<1x1xf32, #tpu.memory_space<vmem>>, %arg8: memref<512x256xf32, #tpu.memory_space<vmem>>, %arg9: memref<8x256xf32, #tpu.memory_space<vmem>>, %arg10: memref<8x256xf32, #tpu.memory_space<vmem>>) attributes {dimension_semantics = [#tpu.dimension_semantics<arbitrary>], iteration_bounds = array<i64: 30>, scalar_prefetch = 0 : i64, scratch_operands = 1 : i64, tpu.core_type = #tpu.core_type<tc>, window_params = [{transform_indices = @transform_0, window_bounds = array<i64: 512, 128>}, {transform_indices = @transform_1, window_bounds = array<i64: 512, 128>}, {transform_indices = @transform_2, window_bounds = array<i64: 512, 128>}, {pipeline_mode = #tpu.pipeline_mode<synchronous>, transform_indices = @transform_3, window_bounds = array<i64: 128, 8>}, {pipeline_mode = #tpu.pipeline_mode<synchronous>, transform_indices = @transform_4, window_bounds = array<i64: 128, 8>}, {pipeline_mode = #tpu.pipeline_mode<synchronous>, transform_indices = @transform_5, window_bounds = array<i64: 128, 8>}, {pipeline_mode = #tpu.pipeline_mode<synchronous>, transform_indices = @transform_6, window_bounds = array<i64: 1, 1>}, {transform_indices = @transform_7, window_bounds = array<i64: 512, 256>}, {pipeline_mode = #tpu.pipeline_mode<synchronous>, transform_indices = @transform_8, window_bounds = array<i64: 8, 256>}]} {
    %eq3A = arith.constant 0 : i32
    %eq3A_0 = arith.cmpi eq, %arg0, %eq3A : i32
    %convert_element_type3A = arith.extui %eq3A_0 : i1 to i32
    %cond3A = arith.constant 0 : i32
    %cond3A_1 = arith.cmpi ne, %convert_element_type3A, %cond3A : i32
    scf.if %cond3A_1 {
      %broadcast_in_dim3A = arith.constant 0.000000e+00 : f32
      %broadcast_in_dim3A_47 = vector.broadcast %broadcast_in_dim3A : f32 to vector<8x256xf32>
      %swap3A_48 = arith.constant 0 : index
      %swap3A_49 = arith.constant 0 : index
      %swap3A_50 = vector.load %arg10[%swap3A_48, %swap3A_49] : memref<8x256xf32, #tpu.memory_space<vmem>>, vector<8x256xf32>
      tpu.vector_store %arg10[%swap3A_48, %swap3A_49], %broadcast_in_dim3A_47 {strides = array<i32>} : memref<8x256xf32, #tpu.memory_space<vmem>>, vector<8x256xf32>,
    } else {
    }
    %get3A = arith.constant 0 : index
    %get3A_2 = arith.constant 0 : index
    %get3A_3 = vector.load %arg1[%get3A, %get3A_2] : memref<512x128xf32, #tpu.memory_space<vmem>>, vector<512x128xf32>
    %get3A_4 = arith.constant 0 : index
    %get3A_5 = arith.constant 0 : index
    %get3A_6 = vector.load %arg4[%get3A_4, %get3A_5] : memref<128x8xf32, #tpu.memory_space<vmem>>, vector<128x8xf32>
    %dot_general3A = arith.constant dense<0.000000e+00> : vector<512x8xf32>
    %dot_general3A_7 = tpu.matmul %get3A_3, %get3A_6, %dot_general3A {dimension_numbers = #tpu.dot_dimension_numbers<[1], [0], [0], [1], [0, 0, 1, 1], [], []>, transpose_lhs_hint = false} : vector<512x128xf32>, vector<128x8xf32>, vector<512x8xf32> -> vector<512x8xf32>
    %get3A_8 = arith.constant 0 : index
    %get3A_9 = arith.constant 0 : index
    %get3A_10 = vector.load %arg2[%get3A_8, %get3A_9] : memref<512x128xf32, #tpu.memory_space<vmem>>, vector<512x128xf32>
    %get3A_11 = arith.constant 0 : index
    %get3A_12 = arith.constant 0 : index
    %get3A_13 = vector.load %arg5[%get3A_11, %get3A_12] : memref<128x8xf32, #tpu.memory_space<vmem>>, vector<128x8xf32>
    %dot_general3A_14 = arith.constant dense<0.000000e+00> : vector<512x8xf32>
    %dot_general3A_15 = tpu.matmul %get3A_10, %get3A_13, %dot_general3A_14 {dimension_numbers = #tpu.dot_dimension_numbers<[1], [0], [0], [1], [0, 0, 1, 1], [], []>, transpose_lhs_hint = false} : vector<512x128xf32>, vector<128x8xf32>, vector<512x8xf32> -> vector<512x8xf32>
    %add3A = arith.addf %dot_general3A_7, %dot_general3A_15 : vector<512x8xf32>
    %get3A_16 = arith.constant 0 : index
    %get3A_17 = arith.constant 0 : index
    %get3A_18 = vector.load %arg3[%get3A_16, %get3A_17] : memref<512x128xf32, #tpu.memory_space<vmem>>, vector<512x128xf32>
    %get3A_19 = arith.constant 0 : index
    %get3A_20 = arith.constant 0 : index
    %get3A_21 = vector.load %arg6[%get3A_19, %get3A_20] : memref<128x8xf32, #tpu.memory_space<vmem>>, vector<128x8xf32>
    %dot_general3A_22 = arith.constant dense<0.000000e+00> : vector<512x8xf32>
    %dot_general3A_23 = tpu.matmul %get3A_18, %get3A_21, %dot_general3A_22 {dimension_numbers = #tpu.dot_dimension_numbers<[1], [0], [0], [1], [0, 0, 1, 1], [], []>, transpose_lhs_hint = false} : vector<512x128xf32>, vector<128x8xf32>, vector<512x8xf32> -> vector<512x8xf32>
    %add3A_24 = arith.addf %add3A, %dot_general3A_23 : vector<512x8xf32>
    %get3A_25 = arith.constant 0 : index
    %get3A_26 = arith.constant 0 : index
    %get3A_27 = vector.load %arg7[%get3A_25, %get3A_26] : memref<1x1xf32, #tpu.memory_space<vmem>>, vector<1x1xf32>
    %get3A_28 = vector.extract %get3A_27[0, 0] : f32 from vector<1x1xf32>
    %add3A_29 = vector.broadcast %get3A_28 : f32 to vector<512x8xf32>
    %add3A_30 = arith.addf %add3A_24, %add3A_29 : vector<512x8xf32>
    %get3A_31 = arith.constant 0 : index
    %get3A_32 = arith.constant 0 : index
    %get3A_33 = vector.load %arg10[%get3A_31, %get3A_32] : memref<8x256xf32, #tpu.memory_space<vmem>>, vector<8x256xf32>
    %get3A_34 = arith.constant 0 : index
    %get3A_35 = arith.constant 0 : index
    %get3A_36 = vector.load %arg8[%get3A_34, %get3A_35] : memref<512x256xf32, #tpu.memory_space<vmem>>, vector<512x256xf32>
    %dot_general3A_37 = arith.constant dense<0.000000e+00> : vector<8x256xf32>
    %dot_general3A_38 = tpu.matmul %add3A_30, %get3A_36, %dot_general3A_37 {dimension_numbers = #tpu.dot_dimension_numbers<[0], [0], [1], [1], [0, 1, 1, 1], [], []>, transpose_lhs_hint = false} : vector<512x8xf32>, vector<512x256xf32>, vector<8x256xf32> -> vector<8x256xf32>
    %add3A_39 = arith.addf %get3A_33, %dot_general3A_38 : vector<8x256xf32>
    %swap3A = arith.constant 0 : index
    %swap3A_40 = arith.constant 0 : index
    %swap3A_41 = vector.load %arg10[%swap3A, %swap3A_40] : memref<8x256xf32, #tpu.memory_space<vmem>>, vector<8x256xf32>
    tpu.vector_store %arg10[%swap3A, %swap3A_40], %add3A_39 {strides = array<i32>} : memref<8x256xf32, #tpu.memory_space<vmem>>, vector<8x256xf32>,
    %eq3A_42 = arith.constant 29 : i32
    %eq3A_43 = arith.cmpi eq, %arg0, %eq3A_42 : i32
    %convert_element_type3A_44 = arith.extui %eq3A_43 : i1 to i32
    %cond3A_45 = arith.constant 0 : i32
    %cond3A_46 = arith.cmpi ne, %convert_element_type3A_44, %cond3A_45 : i32
    scf.if %cond3A_46 {
      %get3A_47 = arith.constant 0 : index
      %get3A_48 = arith.constant 0 : index
      %get3A_49 = vector.load %arg10[%get3A_47, %get3A_48] : memref<8x256xf32, #tpu.memory_space<vmem>>, vector<8x256xf32>
      %swap3A_50 = arith.constant 0 : index
      %swap3A_51 = arith.constant 0 : index
      %swap3A_52 = vector.load %arg9[%swap3A_50, %swap3A_51] : memref<8x256xf32, #tpu.memory_space<vmem>>, vector<8x256xf32>
      tpu.vector_store %arg9[%swap3A_50, %swap3A_51], %get3A_49 {strides = array<i32>} : memref<8x256xf32, #tpu.memory_space<vmem>>, vector<8x256xf32>,
    } else {
    }
    return
  }
  func.func @transform_0(%arg0: i32) -> (i32, i32) {
    %c0_i32 = arith.constant 0 : i32
    %c0_i32_0 = arith.constant 0 : i32
    return %arg0, %c0_i32 : i32, i32
  }
  func.func @transform_1(%arg0: i32) -> (i32, i32) {
    %c0_i32 = arith.constant 0 : i32
    %c0_i32_0 = arith.constant 0 : i32
    return %arg0, %c0_i32 : i32, i32
  }
  func.func @transform_2(%arg0: i32) -> (i32, i32) {
    %c0_i32 = arith.constant 0 : i32
    %c0_i32_0 = arith.constant 0 : i32
    return %arg0, %c0_i32 : i32, i32
  }
  func.func @transform_3(%arg0: i32) -> (i32, i32) {
    %c0_i32 = arith.constant 0 : i32
    %c0_i32_0 = arith.constant 0 : i32
    %c0_i32_1 = arith.constant 0 : i32
    return %c0_i32, %c0_i32_0 : i32, i32
  }
  func.func @transform_4(%arg0: i32) -> (i32, i32) {
    %c0_i32 = arith.constant 0 : i32
    %c0_i32_0 = arith.constant 0 : i32
    %c0_i32_1 = arith.constant 0 : i32
    return %c0_i32, %c0_i32_0 : i32, i32
  }
  func.func @transform_5(%arg0: i32) -> (i32, i32) {
    %c0_i32 = arith.constant 0 : i32
    %c0_i32_0 = arith.constant 0 : i32
    %c0_i32_1 = arith.constant 0 : i32
    return %c0_i32, %c0_i32_0 : i32, i32
  }
  func.func @transform_6(%arg0: i32) -> (i32, i32) {
    %c0_i32 = arith.constant 0 : i32
    %c0_i32_0 = arith.constant 0 : i32
    %c0_i32_1 = arith.constant 0 : i32
    return %c0_i32, %c0_i32_0 : i32, i32
  }
  func.func @transform_7(%arg0: i32) -> (i32, i32) {
    %c0_i32 = arith.constant 0 : i32
    %c0_i32_0 = arith.constant 0 : i32
    return %arg0, %c0_i32 : i32, i32
  }
  func.func @transform_8(%arg0: i32) -> (i32, i32) {
    %c0_i32 = arith.constant 0 : i32
    %c0_i32_0 = arith.constant 0 : i32
    %c0_i32_1 = arith.constant 0 : i32
    return %c0_i32, %c0_i32_0 : i32, i32
  }
}

module attributes {stable_mosaic.version = 14 : i64} {
  func.func @_t6_body(%arg0: memref<8x256xf32, #tpu.memory_space<vmem>>, %arg1: memref<1x256xf32, #tpu.memory_space<vmem>>, %arg2: memref<256x10xf32, #tpu.memory_space<vmem>>, %arg3: memref<1x10xf32, #tpu.memory_space<vmem>>, %arg4: memref<2x10xf32, #tpu.memory_space<vmem>>) attributes {dimension_semantics = [], scalar_prefetch = 0 : i64, scratch_operands = 0 : i64, tpu.core_type = #tpu.core_type<tc>} {
    %get3A = arith.constant 0 : index
    %get3A_0 = arith.constant 0 : index
    %get3A_1 = vector.load %arg0[%get3A, %get3A_0] : memref<8x256xf32, #tpu.memory_space<vmem>>, vector<2x256xf32>
    %get3A_2 = arith.constant 0 : index
    %get3A_3 = arith.constant 0 : index
    %get3A_4 = vector.load %arg1[%get3A_2, %get3A_3] : memref<1x256xf32, #tpu.memory_space<vmem>>, vector<1x256xf32>
    %add3A = vector.broadcast %get3A_4 : vector<1x256xf32> to vector<2x256xf32>
    %add3A_5 = arith.addf %get3A_1, %add3A : vector<2x256xf32>
    %max3A = arith.constant 0.000000e+00 : f32
    %max3A_6 = vector.broadcast %max3A : f32 to vector<2x256xf32>
    %max3A_7 = arith.maximumf %add3A_5, %max3A_6 : vector<2x256xf32>
    %get3A_8 = arith.constant 0 : index
    %get3A_9 = arith.constant 0 : index
    %get3A_10 = vector.load %arg2[%get3A_8, %get3A_9] : memref<256x10xf32, #tpu.memory_space<vmem>>, vector<256x10xf32>
    %dot_general3A = arith.constant dense<0.000000e+00> : vector<2x10xf32>
    %dot_general3A_11 = tpu.matmul %max3A_7, %get3A_10, %dot_general3A {dimension_numbers = #tpu.dot_dimension_numbers<[1], [0], [0], [1], [0, 0, 1, 1], [], []>, transpose_lhs_hint = false} : vector<2x256xf32>, vector<256x10xf32>, vector<2x10xf32> -> vector<2x10xf32>
    %get3A_12 = arith.constant 0 : index
    %get3A_13 = arith.constant 0 : index
    %get3A_14 = vector.load %arg3[%get3A_12, %get3A_13] : memref<1x10xf32, #tpu.memory_space<vmem>>, vector<1x10xf32>
    %add3A_15 = vector.broadcast %get3A_14 : vector<1x10xf32> to vector<2x10xf32>
    %add3A_16 = arith.addf %dot_general3A_11, %add3A_15 : vector<2x10xf32>
    %reduce_max3A = arith.constant dense<0xFF800000> : vector<2xf32>
    %reduce_max3A_17 = vector.multi_reduction <maximumf>, %add3A_16, %reduce_max3A [1] : vector<2x10xf32> to vector<2xf32>
    %broadcast_in_dim3A = vector.shape_cast %reduce_max3A_17 : vector<2xf32> to vector<2x1xf32>
    %sub3A = vector.broadcast %broadcast_in_dim3A : vector<2x1xf32> to vector<2x10xf32>
    %sub3A_18 = arith.subf %add3A_16, %sub3A : vector<2x10xf32>
    %exp3A = math.exp %sub3A_18 : vector<2x10xf32>
    %reduce_sum3A = arith.constant dense<0.000000e+00> : vector<2xf32>
    %reduce_sum3A_19 = vector.multi_reduction <add>, %exp3A, %reduce_sum3A [1] : vector<2x10xf32> to vector<2xf32>
    %broadcast_in_dim3A_20 = vector.shape_cast %reduce_sum3A_19 : vector<2xf32> to vector<2x1xf32>
    %log3A = math.log %broadcast_in_dim3A_20 : vector<2x1xf32>
    %sub3A_21 = vector.broadcast %log3A : vector<2x1xf32> to vector<2x10xf32>
    %sub3A_22 = arith.subf %sub3A_18, %sub3A_21 : vector<2x10xf32>
    %swap3A = arith.constant 0 : index
    %swap3A_23 = arith.constant 0 : index
    %swap3A_24 = vector.load %arg4[%swap3A, %swap3A_23] : memref<2x10xf32, #tpu.memory_space<vmem>>, vector<2x10xf32>
    tpu.vector_store %arg4[%swap3A, %swap3A_23], %sub3A_22 {strides = array<i32>} : memref<2x10xf32, #tpu.memory_space<vmem>>, vector<2x10xf32>,
    return
  }
}

</mosaic_0001>

<sc_bundles>
// kernel: closed_call.13.cloned.1.call-start
scs
__scs_entry_jumppad:
0x0: {  	(pc) =	sbr.rel $0x88, $3  }
0x1: {  	(tag) =	ssettag $0x0;
	lr =	simm.s32 $0x1  }
0x2: {  	[smem:$0x3F93] =	sst lr;
	_ =	strace $0xD0000000  }
0x3: {  	_ = 	snop  }
0x4: {  	_ = 	snop  }
0x5: {  	_ = 	snop  }
0x6: {  	_ = 	snop  }
0x7: {  	_ = 	snop  }
__scs_overlays_trampoline_lowered:
0x8: {  	[smem:$0x3FA2] =	sst s0  }
0x9: {  	[smem:$0x3FA3] =	sst s1  }
0xa: {  	[smem:$0x3FA4] =	sst s2  }
0xb: {  	[smem:$0x3FA5] =	sst s3  }
0xc: {  	[smem:$0x3FA6] =	sst s4  }
0xd: {  	[smem:$0x3FA7] =	sst s5  }
0xe: {  	[smem:$0x3FA8] =	sst s6  }
0xf: {  	[smem:$0x3FA9] =	sst s7  }
0x10: {  	[smem:$0x3FAA] =	sst s8  }
0x11: {  	[smem:$0x3FAB] =	sst s9;
	s0 =	simm.s32 @!p0 $0x0  }
0x12: {  	s1 =	sld [smem:$0x3F91];
	s0 =	simm.s32 @p0 $0x1  }
0x13: {  	[smem:$0x3FAC] =	sst s0;
	s0 =	simm.s32 @!p1 $0x0  }
0x14: {  	s2 =	sld [smem:$0x3F90];
	s0 =	simm.s32 @p1 $0x1  }
0x15: {  	[smem:$0x3FAD] =	sst s0;
	s0 =	simm.s32 @!p2 $0x0  }
0x16: {  	s3 =	sld [smem:$0x3FDB];
	s0 =	simm.s32 @p2 $0x1  }
0x17: {  	s4 =	simm.s32 $0x1BF5;
	[smem:$0x3FAF] =	sst s0  }
0x18: {  	s0 =	sld [smem:$0x3F92];
	_ =	swait.ge [sflag:s4], $0x0  }
0x19: {  	s7 =	sld [smem:$0x3F93]  }
0x1a: {  	s8 =	sadd.s32 $0xFFFFE003, lr  }
0x1b: {  	s9 =	sadd.s32 $0xFFFFFEF7, lr;
	s5 =	simm.s32 $0xFFFFFFFF;
	p2 =	slt.u32 s8, $0xFFFFF086  }
0x1c: {  	p1 =	slt.u32 s9, $0xF7A;
	s5 =	simm.s32 @!p2 $0x0  }
0x1d: {  	s5 =	simm.s32 @p1 $0x1;
	p0 =	seq.s32 s7, s2  }
0x1e: {  	s7 =	smul.u32 @!p0 $0xF7A, s2;
	p2 =	seq.s32 @!p0 s5, $0x0  }
0x1f: {  	s9 =	smul.u32 $0xF7A, s1;
	s8 =	simm.s32 @!p0 $0x1BF5;
	p2 =	por !p2, p0  }
0x20: {  	[sflag:s8] =	ssyncset.s32 @!p0 $0xFFFFF086;
	s6 =	sadd.s32 @!p0 s3, s7;
	s7 =	simm.s32 @!p0 $0x108  }
0x21: {  	s3 =	sadd.s32 s3, s9;
	s6 =	sadd.s32 @!p0 $0x88, s6;
	s7 =	simm.s32 @p2 $0x1082  }
0x22: {  	[simem:s7], [sflag:s8] =	dma.local @!p0 [hbm:s6], $0xF7A  }
0x23: {  	s9 =	sor.u32 $0xD0000000, s2;
	s6 =	simm.s32 $0x108;
	_ =	swait.ge @!p0 [sflag:s8], $0x0  }
0x24: {  	s3 =	sadd.s32 $0x88, s3;
	s6 =	simm.s32 @!p1 $0x1082;
	[sflag:s4] =	ssyncset.s32 $0xFFFFF086  }
0x25: {  	[simem:s6], [sflag:s4] =	dma.local [hbm:s3], $0xF7A  }
0x26: {  	[smem:$0x3F93] =	sst s1;
	(tag) =	ssettag s2;
	_ =	strace s9  }
0x27: {  	s1 =	sld [smem:$0x3FA3]  }
0x28: {  	s2 =	sld [smem:$0x3FA4]  }
0x29: {  	s4 =	sld [smem:$0x3FA6]  }
0x2a: {  	p0 =	seq.s32 s5, $0x0;
	s5 =	sld [smem:$0x3FA7]  }
0x2b: {  	s6 =	sld [smem:$0x3FA8]  }
0x2c: {  	s7 =	sld [smem:$0x3FA9]  }
0x2d: {  	s3 =	simm.s32 $0x108;
	s8 =	sld [smem:$0x3FAA]  }
0x2e: {  	s3 =	simm.s32 @!p0 $0x1082;
	s9 =	sld [smem:$0x3FAB]  }
0x2f: {  	lr =	sadd.s32 s0, s3;
	s0 =	sld [smem:$0x3FA2]  }
0x30: {  	s3 =	sld [smem:$0x3FA5]  }
0x31: {  	[smem:$0x3FAE] =	sst s10  }
0x32: {  	s10 =	sld [smem:$0x3FAC];
	_ =	sdelay $0x3  }
0x33: {  	p0 =	seq.s32 s10, $0x1;
	s10 =	sld [smem:$0x3FAE];
	_ =	sdelay $0x3  }
0x34: {  	[smem:$0x3FAE] =	sst s10  }
0x35: {  	s10 =	sld [smem:$0x3FAD];
	_ =	sdelay $0x3  }
0x36: {  	p1 =	seq.s32 s10, $0x1;
	s10 =	sld [smem:$0x3FAE];
	_ =	sdelay $0x3  }
0x37: {  	[smem:$0x3FAE] =	sst s10  }
0x38: {  	s10 =	sld [smem:$0x3FAF]  }
0x39: {  	_ = 	snop;
	(pc) =	sbr.ind lr, $3  }
0x3a: {  	_ = 	snop  }
0x3b: {  	_ = 	snop  }
0x3c: {  	p2 =	seq.s32 s10, $0x1;
	s10 =	sld [smem:$0x3FAE]  }
0x3d: {  	_ =	shalt  }
0x3e: {  	_ =	shalt  }
0x3f: {  	_ =	shalt  }
0x40: {  	_ =	shalt  }
0x41: {  	_ =	shalt  }
0x42: {  	_ =	shalt  }
0x43: {  	_ =	shalt  }
0x44: {  	_ =	shalt  }
0x45: {  	_ =	shalt  }
0x46: {  	_ =	shalt  }
0x47: {  	_ =	shalt  }
0x48: {  	_ =	shalt  }
0x49: {  	_ =	shalt  }
0x4a: {  	_ =	shalt  }
0x4b: {  	_ =	shalt  }
0x4c: {  	_ =	shalt  }
0x4d: {  	_ =	shalt  }
0x4e: {  	_ =	shalt  }
0x4f: {  	_ =	shalt  }
0x50: {  	_ =	shalt  }
0x51: {  	_ =	shalt  }
0x52: {  	_ =	shalt  }
0x53: {  	_ =	shalt  }
0x54: {  	_ =	shalt  }
0x55: {  	_ =	shalt  }
0x56: {  	_ =	shalt  }
0x57: {  	_ =	shalt  }
0x58: {  	_ =	shalt  }
0x59: {  	_ =	shalt  }
0x5a: {  	_ =	shalt  }
0x5b: {  	_ =	shalt  }
0x5c: {  	_ =	shalt  }
0x5d: {  	_ =	shalt  }
0x5e: {  	_ =	shalt  }
0x5f: {  	_ =	shalt  }
0x60: {  	_ =	shalt  }
0x61: {  	_ =	shalt  }
0x62: {  	_ =	shalt  }
0x63: {  	_ =	shalt  }
0x64: {  	_ =	shalt  }
0x65: {  	_ =	shalt  }
0x66: {  	_ =	shalt  }
0x67: {  	_ =	shalt  }
0x68: {  	_ =	shalt  }
0x69: {  	_ =	shalt  }
0x6a: {  	_ =	shalt  }
0x6b: {  	_ =	shalt  }
0x6c: {  	_ =	shalt  }
0x6d: {  	_ =	shalt  }
0x6e: {  	_ =	shalt  }
0x6f: {  	_ =	shalt  }
0x70: {  	_ =	shalt  }
0x71: {  	_ =	shalt  }
0x72: {  	_ =	shalt  }
0x73: {  	_ =	shalt  }
0x74: {  	_ =	shalt  }
0x75: {  	_ =	shalt  }
0x76: {  	_ =	shalt  }
0x77: {  	_ =	shalt  }
0x78: {  	_ =	shalt  }
0x79: {  	_ =	shalt  }
0x7a: {  	_ =	shalt  }
0x7b: {  	_ =	shalt  }
0x7c: {  	_ =	shalt  }
0x7d: {  	_ =	shalt  }
0x7e: {  	_ =	shalt  }
0x7f: {  	_ =	shalt  }
0x80: {  	_ =	shalt  }
0x81: {  	_ =	shalt  }
0x82: {  	_ =	shalt  }
0x83: {  	_ =	shalt  }
0x84: {  	_ =	shalt  }
0x85: {  	_ =	shalt  }
0x86: {  	_ =	shalt  }
0x87: {  	_ =	shalt  }
.Lfunc_end0:
.L_simem_size_0:
called_computation_lowered:
.L_overlay_start_0:
0x88: {  	s2 =	sld [smem:$0x3FD9]  }
0x89: {  	s3 =	sld [smem:$0x3FFE];
	_ =	sdelay $0x1  }
0x8a: {  	s1 =	srdreg.scid  }
0x8b: {  	s0 =	sand.u32 $0x1, s1  }
0x8c: {  	s16 =	sshll.u32 s0, $0xA;
	s2 =	sadd.s32 s3, s2  }
0x8d: {  	s2 =	sadd.s32 s2, s16  }
0x8e: {  	[smem:$0x3FBA] =	sst s2  }
0x8f: {  	_ = 	snop  }
0x90: {  	(tm) =	ssettm $0x1  }
0x91: {  	s17 =	sld [smem:$0x3FFB];
	_ =	sdelay $0x3  }
0x92: {  	_ =	strace s17  }
0x93: {  	s2 =	sld [smem:$0x3FFC];
	_ =	sdelay $0x3  }
0x94: {  	_ =	strace s2  }
0x95: {  	s2 =	sld [smem:$0x3FFD];
	_ =	sdelay $0x3  }
0x96: {  	_ =	strace s2  }
0x97: {  	_ =	strace $0x8FFFFFFF  }
0x98: {  	s18 =	sld [smem:$0x3FDB];
	_ =	sdelay $0x1  }
0x99: {  	s19 =	simm.s32 $_scs_section_size  }
0x9a: {  	s4 =	simm.s32 $_size__tile_overlayer_lowered;
	s5 =	simm.s32 $_tile_overlayer_lowered  }
0x9b: {  	s22 =	simm.s32 $0x1BFF;
	s21 =	sshll.u32 s5, $0x1;
	s2 =	sadd.s32 s19, s18  }
0x9c: {  	s6 =	simm.s32 $0x0;
	s20 =	sshll.u32 s4, $0x1;
	s4 =	sadd.s32 s21, s2  }
0x9d: {  	[timem:s6], [sflag:s22] =	dma.local [hbm:s4], s20  }
0x9e: {  	_ =	swait.ge [sflag:s22], s20  }
0x9f: {  	s3 =	ssub.s32 $0x0, s20;
	[sflag:s22] =	ssyncset.done $0x0  }
0xa0: {  	[sflag:s22] =	ssyncadd.s32 s3;
	_ =	sdelay $0x1  }
0xa1: {  	s23 =	simm.s32 $0x1B8B  }
0xa2: {  	_ =	swait.ge [sflag:s23], $0x1  }
0xa3: {  	[sflag:s23] =	ssyncset.done $0x0  }
0xa4: {  	s25 =	simm.s32 $0x1B8E;
	s24 =	sld [smem:$0x3FFE];
	[sflag:s23] =	ssyncadd.s32 $0xFFFFFFFF  }
0xa5: {  	s26 =	simm.s32 $execute0_lowered;
	[smem:$0x3FD2] =	sst s25  }
0xa6: {  	s4 =	sshll.u32 s26, $0x1;
	_ =	strace $0x80000046;
	[dreg:$0x1] =	wrdreg $0xFFFFFFFF  }
0xa7: {  	s28 =	simm.s32 $_size_execute0_lowered;
	s2 =	sadd.s32 s2, s4;
	[dreg:$0x0] =	wrdreg $0x0  }
0xa8: {  	s4 =	sshll.u32 s28, $0x1;
	[dreg:$0x2] =	wrdreg s2  }
0xa9: {  	[dreg:$0x3] =	wrdreg s4  }
0xaa: {  	[dreg:$0x4] =	wrdreg $0xC0  }
0xab: {  	_ =	task [dreg:s6], $0x5FFFF  }
0xac: {  	[dreg:$0x1] =	wrdreg $0xFFFFFFFF  }
0xad: {  	[dreg:$0x0] =	wrdreg $0x60  }
0xae: {  	[dreg:$0x2] =	wrdreg s24  }
0xaf: {  	[dreg:$0x3] =	wrdreg $0x104000  }
0xb0: {  	[dreg:$0x4] =	wrdreg $0x9  }
0xb1: {  	_ =	task.clear_ibuf [dreg:s6], $0x5FFFF;
	_ =	strace $0x90000046  }
0xb2: {  	s29 =	simm.s32 $0x9;
	_ =	strace $0x80000048  }
0xb3: {  	_ =	swait.ge [sflag:s29], $0x1  }
0xb4: {  	[sflag:s29] =	ssyncadd.s32 $0xFFFFFFFF  }
0xb5: {  	_ =	strace $0x90000048  }
0xb6: {  	_ =	sfence  }
0xb7: {  	s30 =	sld [smem:$0x0];
	_ =	sdelay $0x2  }
0xb8: {  	s31 =	sshll.u32 s1, $0xD;
	s1 =	sshrl.u32 s1, $0x2  }
0xb9: {  	s3 =	sand.u32 $0x4000, s31;
	s1 =	sadd.s32 s1, s30  }
0xba: {  	s0 =	sor.u32 s3, s0;
	s1 =	sshll.u32 s1, $0x11  }
0xbb: {  	s0 =	sor.u32 s1, s0  }
0xbc: {  	s0 =	sadd.s32 $0x8F2B, s0  }
0xbd: {  	[sflag:s0] =	ssyncadd.remote.s32 $0x1  }
0xbe: {  	_ =	sfence.sel $0xFFFF  }
0xbf: {  	[dreg:$0x0] =	wrdreg $0xFFFFFFFF;
	(pc) =	sbr.abs _section_cstart, $3  }
0xc0: {  	[dreg:$0x1] =	wrdreg $0xFFFFFFFF  }
0xc1: {  	_ =	task.clear_ibuf [dreg:s6], $0x2FFFF;
	_ =	strace $0x9FFFFFFF  }
0xc2: {  	(tm) =	ssettm $0x7FFFFFFF  }
0xc3: {  	_ =	shalt  }
tec
execute0_lowered:
.L_overlay_start_1:
0x0: {  	(tag) =	ssettag $0x1  }
0x1: {  	s0 =	rddreg [dreg:$0x0];
	s14 =	stileid.u32  }
0x2: {  	s2 =	rddreg [dreg:$0x1];
	s6 =	smul.u32 $0x1E0, s14  }
0x3: {  	s1 =	srdreg.scid;
	s3 =	simm.s32 $0x0;
	s8 =	smul.u32 $0x3C000, s14  }
0x4: {  	s28 =	simm.s32 $0x200;
	s29 =	simm.s32 $0x280;
	s10 =	smul.u32 $0xF0, s14  }
0x5: {  	s30 =	simm.s32 $0x1;
	s1 =	sand.u32 $0x1, s1;
	s12 =	smul.u32 $0x7800, s14  }
0x6: {  	s31 =	simm.s32 $0x300;
	s4 =	sadd.s32 $0x130C00, s0;
	s7 =	smul.u32 $0x1E00, s1  }
0x7: {  	[smem:$0x7FF] =	sst s3;
	s5 =	sadd.s32 $0x18AC00, s0;
	s11 =	smul.u32 $0xF00, s1  }
0x8: {  	_ =	strace $0x80000047;
	s19 =	ssub.s32 $0x2, s1;
	s1 =	smul.u32 $0xF000, s1  }
0x9: {  	s9 =	sshrl.u32 s19, $0x1;
	s8 =	sshrl.u32 s8, $0x2;
	s20 =	sshrl.u32 s12, $0x3  }
0xa: {  	s7 =	sadd.s32 s6, s7;
	s6 =	sadd.s32 $0x16CC00, s0;
	s13 =	ssub.s32 s19, s9  }
0xb: {  	s10 =	sadd.s32 s10, s11;
	s11 =	sadd.s32 s5, s20;
	s19 =	simm.s32 $0x400  }
0xc: {  	s7 =	sshll.u32 s7, $0x4;
	s10 =	sshll.u32 s10, $0x4;
	s11 =	sadd.s32 $0xEE0, s11  }
0xd: {  	s26 =	smax.u32 s13, $0x1;
	s0 =	sadd.s32 s7, s0;
	[dreg:$0x7] =	wrdreg s11  }
0xe: {  	s7 =	sadd.s32 s8, s2;
	s10 =	sadd.s32 s6, s10;
	[dreg:$0xe] =	wrdreg s26  }
0xf: {  	s20 =	simm.s32 $0x3;
	s22 =	sadd.s32 $0xEC0, s10;
	[dreg:$0x4] =	wrdreg s7  }
0x10: {  	s8 =	smul.u32 $0xF00, s14;
	s23 =	sadd.s32 $0xED0, s10;
	[dreg:$0x8] =	wrdreg s22  }
0x11: {  	s26 =	simm.s32 $0xC400;
	s24 =	sadd.s32 $0xEE0, s10;
	[dreg:$0x9] =	wrdreg s23  }
0x12: {  	s9 =	sadd.s32 $0x7800, s7;
	s10 =	sadd.s32 $0xEF0, s10;
	[dreg:$0xa] =	wrdreg s24  }
0x13: {  	s25 =	sadd.s32 $0x214E00, s0;
	s0 =	sadd.s32 $0x215D00, s0;
	[dreg:$0xb] =	wrdreg s10  }
0x14: {  	s21 =	sadd.s32 s5, s8;
	[dreg:$0xc] =	wrdreg s25;
	s1 =	sadd.s32 s1, s8  }
0x15: {  	[dreg:$0xd] =	wrdreg s0;
	s22 =	simm.s32 $0x4400;
	s23 =	simm.s32 $0x100  }
0x16: {  	s24 =	simm.s32 $0x8400;
	s25 =	simm.s32 $0x180;
	[dreg:$0x5] =	wrdreg s9  }
0x17: {  	s0 =	simm.s32 $0x380;
	s10 =	simm.s32 $0x0;
	[dreg:$0x6] =	wrdreg s21  }
0x18: {  	v0 =	vimm.f32 $0.0e+00;
	[dreg:$0x3] =	wrdreg s1;
	s21 =	simm.s32 $0x80;
	s1 =	simm.s32 $0x2  }
.LBB2_1:
0x19: {  	s11 =	simm.s32 $0x0;
	s12 =	simm.s32 $0x200  }
.LBB2_2:
0x1a: {  	p0 =	sne.s32 s12, $0x1DE00;
	[tilespmem:s11+$0x470] =	vst v0  }
0x1b: {  	[tilespmem:s11+$0x400] =	vst v0  }
0x1c: {  	[tilespmem:s11+$0x410] =	vst v0  }
.Ltmp0:
0x1d: {  	[tilespmem:s11+$0x420] =	vst v0;
	(pc) =	sbr.rel @p0 .LBB2_2-.Ltmp0, $4  }
0x1e: {  	[tilespmem:s11+$0x430] =	vst v0  }
0x1f: {  	[tilespmem:s11+$0x440] =	vst v0  }
0x20: {  	[tilespmem:s11+$0x450] =	vst v0  }
0x21: {  	[tilespmem:s11+$0x460] =	vst v0;
	s11 =	sshra.s32 s12, $0x2;
	s12 =	sadd.s32 $0x200, s12  }
0x22: {  	[tilespmem:s11+$0x470] =	vst v0  }
0x23: {  	[tilespmem:s11+$0x400] =	vst v0  }
0x24: {  	[tilespmem:s11+$0x410] =	vst v0  }
0x25: {  	[tilespmem:s11+$0x420] =	vst v0  }
0x26: {  	[tilespmem:s11+$0x430] =	vst v0  }
0x27: {  	[tilespmem:s11+$0x440] =	vst v0  }
0x28: {  	[tilespmem:s11+$0x450] =	vst v0  }
0x29: {  	[tilespmem:s11+$0x460] =	vst v0  }
0x2a: {  	[spmem:s7] =	stream.linear.scatter [tilespmem:s19], [sflag:$0x3], $0x7800, $0x38;
	[tilespmem:$0x1F440] =	vst v63  }
0x2b: {  	_ =	swait.ge [sflag:s20], $0x7800  }
0x2c: {  	[sflag:s20] =	ssyncset.done $0x0  }
0x2d: {  	[sflag:s20] =	ssyncadd.s32 $0xFFFF8800  }
0x2e: {  	[spmem:s9] =	stream.linear.scatter [tilespmem:s19], [sflag:$0x3], $0x7800, $0x38;
	[tilespmem:$0x1F440] =	vst v63  }
0x2f: {  	_ =	swait.ge [sflag:s20], $0x7800  }
0x30: {  	[sflag:s20] =	ssyncset.done $0x0  }
0x31: {  	[sflag:s20] =	ssyncadd.s32 $0xFFFF8800  }
0x32: {  	[bflag:$0x0] =	sbarrier.arrive $0xFFFF  }
0x33: {  	s17 =	simm.s32 $0x0;
	s18 =	rddreg [dreg:$0x6]  }
0x34: {  	[tilespmem:s17], [sflag:$0x3] =	stream.linear.gather [hbm4b:s18+s17], $0x100, $0x38;
	[tilespmem:$0x1F440] =	vst v63  }
0x35: {  	_ =	swait.ge [sflag:s20], $0x100  }
0x36: {  	s11 =	sand.u32 $0x40, s17;
	[sflag:s20] =	ssyncset.done $0x0  }
0x37: {  	s12 =	sadd.s32 $0x0, s8;
	s13 =	sor.u32 $0x20, s11;
	[sflag:s20] =	ssyncadd.s32 $0xFFFFFF00  }
0x38: {  	[tilespmem:s19], [sflag:$0x1] =	stream.indirect.gather [hbm4b:s4+s21], $0x80, s17, s21, $0xb8;
	[tilespmem:$0x1F440] =	vst v63  }
0x39: {  	s14 =	sand.u32 $0x1FF80, s12;
	s15 =	sadd.s32 s5, s13  }
0x3a: {  	[tilespmem:s22], [sflag:$0x1] =	stream.indirect.gather [hbm4b:s4+s21], $0x80, s21, s21, $0xb8;
	[tilespmem:$0x1F440] =	vst v63  }
0x3b: {  	s14 =	sadd.s32 s14, s15  }
0x3c: {  	[tilespmem:s23], [sflag:$0x3] =	stream.linear.gather [hbm4b:s14+s3], $0x100, $0x38;
	[tilespmem:$0x1F440] =	vst v63  }
0x3d: {  	_ =	swait.ge [sflag:s20], $0x100  }
0x3e: {  	[sflag:s20] =	ssyncset.done $0x0;
	s7 =	rddreg [dreg:$0x3]  }
0x3f: {  	[sflag:s20] =	ssyncadd.s32 $0xFFFFFF00;
	s14 =	sadd.s32 $0x0, s7  }
0x40: {  	[tilespmem:s24], [sflag:$0x2] =	stream.indirect.gather [hbm4b:s4+s21], $0x80, s23, s21, $0xb8;
	[tilespmem:$0x1F440] =	vst v63  }
0x41: {  	s11 =	sadd.s32 s6, s11;
	s14 =	sand.u32 $0x3FF80, s14  }
0x42: {  	[tilespmem:s26], [sflag:$0x2] =	stream.indirect.gather [hbm4b:s4+s21], $0x80, s25, s21, $0xb8;
	[tilespmem:$0x1F440] =	vst v63  }
0x43: {  	s9 =	sadd.s32 s14, s11  }
0x44: {  	[tilespmem:s28], [sflag:$0x3] =	stream.linear.gather [hbm4b:s9+s3], $0x80, $0x38;
	[tilespmem:$0x1F440] =	vst v63  }
0x45: {  	_ =	swait.ge [sflag:s20], $0x80  }
0x46: {  	[sflag:s20] =	ssyncset.done $0x0  }
0x47: {  	s11 =	sadd.s32 $0x10, s9;
	[sflag:s20] =	ssyncadd.s32 $0xFFFFFF80  }
0x48: {  	[tilespmem:s29], [sflag:$0x3] =	stream.linear.gather [hbm4b:s11+s3], $0x80, $0x38;
	[tilespmem:$0x1F440] =	vst v63  }
0x49: {  	_ =	swait.ge [sflag:s20], $0x80  }
0x4a: {  	[sflag:s20] =	ssyncset.done $0x0  }
0x4b: {  	[sflag:s20] =	ssyncadd.s32 $0xFFFFFF80  }
0x4c: {  	_ =	swait.ge [sflag:s30], $0x4000  }
0x4d: {  	[sflag:s30] =	ssyncset.done $0x0  }
0x4e: {  	[sflag:s30] =	ssyncadd.s32 $0xFFFFC000  }
0x4f: {  	_ =	swait.ge [sflag:s30], $0x4000  }
0x50: {  	[sflag:s30] =	ssyncset.done $0x0  }
0x51: {  	[sflag:s30] =	ssyncadd.s32 $0xFFFFC000  }
0x52: {  	[spmem:s2] =	stream.indirect.scatter.add.f32 [tilespmem:s19], [sflag:$0x3], $0x80, s28, s21, $0xb8;
	[tilespmem:$0x1F440] =	vst v63  }
0x53: {  	_ =	swait.ge [sflag:s20], $0x4000  }
0x54: {  	[sflag:s20] =	ssyncset.done $0x0  }
0x55: {  	s11 =	simm.s32 $0x40;
	[sflag:s20] =	ssyncadd.s32 $0xFFFFC000  }
0x56: {  	[spmem:s2] =	stream.indirect.scatter.add.f32 [tilespmem:s22], [sflag:$0x3], $0x80, s29, s21, $0xb8;
	[tilespmem:$0x1F440] =	vst v63  }
0x57: {  	s12 =	sadd.s32 $0x40, s12;
	s16 =	sand.u32 $0x40, s11;
	_ =	swait.ge [sflag:s20], $0x4000  }
0x58: {  	s12 =	sand.u32 $0x1FF80, s12;
	s16 =	sadd.s32 s5, s16;
	[sflag:s20] =	ssyncset.done $0x0  }
0x59: {  	s12 =	sadd.s32 s12, s16;
	[sflag:s20] =	ssyncadd.s32 $0xFFFFC000  }
0x5a: {  	[tilespmem:s3], [sflag:$0x3] =	stream.linear.gather [hbm4b:s12+s3], $0x100, $0x38;
	[tilespmem:$0x1F440] =	vst v63  }
0x5b: {  	_ =	swait.ge [sflag:s20], $0x100  }
0x5c: {  	[sflag:s20] =	ssyncset.done $0x0  }
0x5d: {  	[sflag:s20] =	ssyncadd.s32 $0xFFFFFF00  }
0x5e: {  	[tilespmem:s19], [sflag:$0x1] =	stream.indirect.gather [hbm4b:s4+s21], $0x80, s3, s21, $0xb8;
	[tilespmem:$0x1F440] =	vst v63  }
0x5f: {  	s17 =	sadd.s32 s6, s13  }
0x60: {  	[tilespmem:s22], [sflag:$0x1] =	stream.indirect.gather [hbm4b:s4+s21], $0x80, s21, s21, $0xb8;
	[tilespmem:$0x1F440] =	vst v63  }
0x61: {  	s12 =	sadd.s32 s14, s17  }
0x62: {  	[tilespmem:s31], [sflag:$0x3] =	stream.linear.gather [hbm4b:s12+s3], $0x80, $0x38;
	[tilespmem:$0x1F440] =	vst v63  }
0x63: {  	_ =	swait.ge [sflag:s20], $0x80  }
0x64: {  	[sflag:s20] =	ssyncset.done $0x0  }
0x65: {  	s18 =	sadd.s32 $0x30, s9;
	[sflag:s20] =	ssyncadd.s32 $0xFFFFFF80  }
0x66: {  	[tilespmem:s0], [sflag:$0x3] =	stream.linear.gather [hbm4b:s18+s3], $0x80, $0x38;
	[tilespmem:$0x1F440] =	vst v63  }
0x67: {  	_ =	swait.ge [sflag:s20], $0x80  }
0x68: {  	[sflag:s20] =	ssyncset.done $0x0  }
0x69: {  	[sflag:s20] =	ssyncadd.s32 $0xFFFFFF80  }
0x6a: {  	_ =	swait.ge [sflag:s1], $0x4000  }
0x6b: {  	[sflag:s1] =	ssyncset.done $0x0  }
0x6c: {  	[sflag:s1] =	ssyncadd.s32 $0xFFFFC000  }
0x6d: {  	_ =	swait.ge [sflag:s1], $0x4000  }
0x6e: {  	[sflag:s1] =	ssyncset.done $0x0  }
0x6f: {  	[sflag:s1] =	ssyncadd.s32 $0xFFFFC000  }
0x70: {  	[spmem:s2] =	stream.indirect.scatter.add.f32 [tilespmem:s24], [sflag:$0x3], $0x80, s31, s21, $0xb8;
	[tilespmem:$0x1F440] =	vst v63  }
0x71: {  	_ =	swait.ge [sflag:s20], $0x4000  }
0x72: {  	s15 =	sadd.s32 $0x40, s8;
	[sflag:s20] =	ssyncset.done $0x0  }
0x73: {  	s16 =	sand.u32 $0x40, s11;
	s18 =	simm.s32 $0x80;
	[sflag:s20] =	ssyncadd.s32 $0xFFFFC000  }
0x74: {  	[spmem:s2] =	stream.indirect.scatter.add.f32 [tilespmem:s26], [sflag:$0x3], $0x80, s0, s21, $0xb8;
	[tilespmem:$0x1F440] =	vst v63  }
0x75: {  	s13 =	sor.u32 $0x20, s16;
	s12 =	sand.u32 $0x40, s18;
	_ =	swait.ge [sflag:s20], $0x4000  }
.LBB2_4:
0x76: {  	s17 =	sand.u32 $0x1FF80, s15;
	s9 =	sadd.s32 s5, s13;
	[sflag:s20] =	ssyncset.done $0x0  }
0x77: {  	s9 =	sadd.s32 s17, s9;
	[sflag:s20] =	ssyncadd.s32 $0xFFFFC000  }
0x78: {  	[tilespmem:s23], [sflag:$0x3] =	stream.linear.gather [hbm4b:s9+s3], $0x100, $0x38;
	[tilespmem:$0x1F440] =	vst v63  }
0x79: {  	s7 =	smov.u32 s18;
	s14 =	sadd.s32 $0x40, s18;
	_ =	swait.ge [sflag:s20], $0x100  }
0x7a: {  	p0 =	sne.s32 s18, $0xE80;
	[sflag:s20] =	ssyncset.done $0x0;
	s18 =	rddreg [dreg:$0x3]  }
0x7b: {  	[sflag:s20] =	ssyncadd.s32 $0xFFFFFF00;
	s9 =	sadd.s32 s11, s18  }
0x7c: {  	[tilespmem:s24], [sflag:$0x2] =	stream.indirect.gather [hbm4b:s4+s21], $0x80, s23, s21, $0xb8;
	[tilespmem:$0x1F440] =	vst v63  }
0x7d: {  	s16 =	sadd.s32 s6, s16;
	s18 =	sand.u32 $0x3FF80, s9  }
0x7e: {  	[tilespmem:s26], [sflag:$0x2] =	stream.indirect.gather [hbm4b:s4+s21], $0x80, s25, s21, $0xb8;
	[tilespmem:$0x1F440] =	vst v63  }
0x7f: {  	s16 =	sadd.s32 s18, s16  }
0x80: {  	[tilespmem:s28], [sflag:$0x3] =	stream.linear.gather [hbm4b:s16+s3], $0x80, $0x38;
	[tilespmem:$0x1F440] =	vst v63  }
0x81: {  	_ =	swait.ge [sflag:s20], $0x80  }
0x82: {  	[sflag:s20] =	ssyncset.done $0x0  }
0x83: {  	s9 =	sadd.s32 $0x10, s16;
	[sflag:s20] =	ssyncadd.s32 $0xFFFFFF80  }
0x84: {  	[tilespmem:s29], [sflag:$0x3] =	stream.linear.gather [hbm4b:s9+s3], $0x80, $0x38;
	[tilespmem:$0x1F440] =	vst v63  }
0x85: {  	_ =	swait.ge [sflag:s20], $0x80  }
0x86: {  	[sflag:s20] =	ssyncset.done $0x0  }
0x87: {  	[sflag:s20] =	ssyncadd.s32 $0xFFFFFF80  }
0x88: {  	_ =	swait.ge [sflag:s30], $0x4000  }
0x89: {  	[sflag:s30] =	ssyncset.done $0x0  }
0x8a: {  	[sflag:s30] =	ssyncadd.s32 $0xFFFFC000  }
0x8b: {  	_ =	swait.ge [sflag:s30], $0x4000  }
0x8c: {  	[sflag:s30] =	ssyncset.done $0x0  }
0x8d: {  	[sflag:s30] =	ssyncadd.s32 $0xFFFFC000  }
0x8e: {  	[spmem:s2] =	stream.indirect.scatter.add.f32 [tilespmem:s19], [sflag:$0x3], $0x80, s28, s21, $0xb8;
	[tilespmem:$0x1F440] =	vst v63  }
0x8f: {  	_ =	swait.ge [sflag:s20], $0x4000  }
0x90: {  	[sflag:s20] =	ssyncset.done $0x0  }
0x91: {  	[sflag:s20] =	ssyncadd.s32 $0xFFFFC000  }
0x92: {  	[spmem:s2] =	stream.indirect.scatter.add.f32 [tilespmem:s22], [sflag:$0x3], $0x80, s29, s21, $0xb8;
	[tilespmem:$0x1F440] =	vst v63  }
0x93: {  	s11 =	smov.u32 s7;
	s9 =	sadd.s32 $0x40, s15;
	_ =	swait.ge [sflag:s20], $0x4000  }
0x94: {  	s15 =	sadd.s32 s5, s12;
	s7 =	sand.u32 $0x1FF80, s9;
	[sflag:s20] =	ssyncset.done $0x0  }
0x95: {  	s7 =	sadd.s32 s7, s15;
	[sflag:s20] =	ssyncadd.s32 $0xFFFFC000  }
0x96: {  	[tilespmem:s3], [sflag:$0x3] =	stream.linear.gather [hbm4b:s7+s3], $0x100, $0x38;
	[tilespmem:$0x1F440] =	vst v63  }
0x97: {  	_ =	swait.ge [sflag:s20], $0x100  }
0x98: {  	[sflag:s20] =	ssyncset.done $0x0  }
0x99: {  	s17 =	sand.u32 $0x40, s14;
	[sflag:s20] =	ssyncadd.s32 $0xFFFFFF00  }
0x9a: {  	[tilespmem:s19], [sflag:$0x1] =	stream.indirect.gather [hbm4b:s4+s21], $0x80, s3, s21, $0xb8;
	[tilespmem:$0x1F440] =	vst v63  }
0x9b: {  	s12 =	smov.u32 s17;
	s17 =	sadd.s32 s6, s13  }
0x9c: {  	[tilespmem:s22], [sflag:$0x1] =	stream.indirect.gather [hbm4b:s4+s21], $0x80, s21, s21, $0xb8;
	[tilespmem:$0x1F440] =	vst v63  }
0x9d: {  	s7 =	sadd.s32 s18, s17  }
0x9e: {  	[tilespmem:s31], [sflag:$0x3] =	stream.linear.gather [hbm4b:s7+s3], $0x80, $0x38;
	[tilespmem:$0x1F440] =	vst v63  }
0x9f: {  	_ =	swait.ge [sflag:s20], $0x80  }
0xa0: {  	[sflag:s20] =	ssyncset.done $0x0  }
0xa1: {  	s18 =	sadd.s32 $0x30, s16;
	[sflag:s20] =	ssyncadd.s32 $0xFFFFFF80  }
0xa2: {  	[tilespmem:s0], [sflag:$0x3] =	stream.linear.gather [hbm4b:s18+s3], $0x80, $0x38;
	[tilespmem:$0x1F440] =	vst v63  }
0xa3: {  	_ =	swait.ge [sflag:s20], $0x80  }
0xa4: {  	[sflag:s20] =	ssyncset.done $0x0  }
0xa5: {  	[sflag:s20] =	ssyncadd.s32 $0xFFFFFF80  }
0xa6: {  	_ =	swait.ge [sflag:s1], $0x4000  }
0xa7: {  	[sflag:s1] =	ssyncset.done $0x0  }
0xa8: {  	[sflag:s1] =	ssyncadd.s32 $0xFFFFC000  }
0xa9: {  	_ =	swait.ge [sflag:s1], $0x4000  }
0xaa: {  	[sflag:s1] =	ssyncset.done $0x0  }
0xab: {  	[sflag:s1] =	ssyncadd.s32 $0xFFFFC000  }
0xac: {  	[spmem:s2] =	stream.indirect.scatter.add.f32 [tilespmem:s24], [sflag:$0x3], $0x80, s31, s21, $0xb8;
	[tilespmem:$0x1F440] =	vst v63  }
.Ltmp1:
0xad: {  	_ =	swait.ge [sflag:s20], $0x4000;
	(pc) =	sbr.rel @p0 .LBB2_4-.Ltmp1, $4  }
0xae: {  	[sflag:s20] =	ssyncset.done $0x0  }
0xaf: {  	s15 =	sadd.s32 s11, s8;
	s16 =	sand.u32 $0x40, s11;
	[sflag:s20] =	ssyncadd.s32 $0xFFFFC000  }
0xb0: {  	[spmem:s2] =	stream.indirect.scatter.add.f32 [tilespmem:s26], [sflag:$0x3], $0x80, s0, s21, $0xb8;
	[tilespmem:$0x1F440] =	vst v63  }
0xb1: {  	s13 =	sor.u32 $0x20, s16;
	s18 =	smov.u32 s14;
	_ =	swait.ge [sflag:s20], $0x4000  }
0xb2: {  	s7 =	sand.u32 $0x1FF80, s15;
	s9 =	sadd.s32 s5, s13;
	[sflag:s20] =	ssyncset.done $0x0  }
0xb3: {  	s7 =	sadd.s32 s7, s9;
	[sflag:s20] =	ssyncadd.s32 $0xFFFFC000  }
0xb4: {  	[tilespmem:s23], [sflag:$0x3] =	stream.linear.gather [hbm4b:s7+s3], $0x100, $0x38;
	[tilespmem:$0x1F440] =	vst v63  }
0xb5: {  	_ =	swait.ge [sflag:s20], $0x100  }
0xb6: {  	[sflag:s20] =	ssyncset.done $0x0;
	s9 =	rddreg [dreg:$0x3]  }
0xb7: {  	[sflag:s20] =	ssyncadd.s32 $0xFFFFFF00;
	s7 =	sadd.s32 s11, s9  }
0xb8: {  	[tilespmem:s24], [sflag:$0x2] =	stream.indirect.gather [hbm4b:s4+s21], $0x80, s23, s21, $0xb8;
	[tilespmem:$0x1F440] =	vst v63  }
0xb9: {  	s14 =	sadd.s32 s6, s16;
	s7 =	sand.u32 $0x3FF80, s7  }
0xba: {  	[tilespmem:s26], [sflag:$0x2] =	stream.indirect.gather [hbm4b:s4+s21], $0x80, s25, s21, $0xb8;
	[tilespmem:$0x1F440] =	vst v63  }
0xbb: {  	s9 =	sadd.s32 s7, s14  }
0xbc: {  	[tilespmem:s28], [sflag:$0x3] =	stream.linear.gather [hbm4b:s9+s3], $0x80, $0x38;
	[tilespmem:$0x1F440] =	vst v63  }
0xbd: {  	_ =	swait.ge [sflag:s20], $0x80  }
0xbe: {  	[sflag:s20] =	ssyncset.done $0x0  }
0xbf: {  	s16 =	sadd.s32 $0x10, s9;
	[sflag:s20] =	ssyncadd.s32 $0xFFFFFF80  }
0xc0: {  	[tilespmem:s29], [sflag:$0x3] =	stream.linear.gather [hbm4b:s16+s3], $0x80, $0x38;
	[tilespmem:$0x1F440] =	vst v63  }
0xc1: {  	_ =	swait.ge [sflag:s20], $0x80  }
0xc2: {  	[sflag:s20] =	ssyncset.done $0x0  }
0xc3: {  	[sflag:s20] =	ssyncadd.s32 $0xFFFFFF80  }
0xc4: {  	_ =	swait.ge [sflag:s30], $0x4000  }
0xc5: {  	[sflag:s30] =	ssyncset.done $0x0  }
0xc6: {  	[sflag:s30] =	ssyncadd.s32 $0xFFFFC000  }
0xc7: {  	_ =	swait.ge [sflag:s30], $0x4000  }
0xc8: {  	[sflag:s30] =	ssyncset.done $0x0  }
0xc9: {  	[sflag:s30] =	ssyncadd.s32 $0xFFFFC000  }
0xca: {  	[spmem:s2] =	stream.indirect.scatter.add.f32 [tilespmem:s19], [sflag:$0x3], $0x80, s28, s21, $0xb8;
	[tilespmem:$0x1F440] =	vst v63  }
0xcb: {  	_ =	swait.ge [sflag:s20], $0x4000  }
0xcc: {  	[sflag:s20] =	ssyncset.done $0x0  }
0xcd: {  	[sflag:s20] =	ssyncadd.s32 $0xFFFFC000  }
0xce: {  	[spmem:s2] =	stream.indirect.scatter.add.f32 [tilespmem:s22], [sflag:$0x3], $0x80, s29, s21, $0xb8;
	[tilespmem:$0x1F440] =	vst v63  }
0xcf: {  	s17 =	sadd.s32 $0x40, s15;
	_ =	swait.ge [sflag:s20], $0x4000  }
0xd0: {  	s12 =	sadd.s32 s5, s12;
	s11 =	sand.u32 $0x1FF80, s17;
	[sflag:s20] =	ssyncset.done $0x0  }
0xd1: {  	s11 =	sadd.s32 s11, s12;
	[sflag:s20] =	ssyncadd.s32 $0xFFFFC000  }
0xd2: {  	[tilespmem:s3], [sflag:$0x3] =	stream.linear.gather [hbm4b:s11+s3], $0x100, $0x38;
	[tilespmem:$0x1F440] =	vst v63  }
0xd3: {  	_ =	swait.ge [sflag:s20], $0x100  }
0xd4: {  	[sflag:s20] =	ssyncset.done $0x0  }
0xd5: {  	[sflag:s20] =	ssyncadd.s32 $0xFFFFFF00  }
0xd6: {  	[tilespmem:s19], [sflag:$0x1] =	stream.indirect.gather [hbm4b:s4+s21], $0x80, s3, s21, $0xb8;
	[tilespmem:$0x1F440] =	vst v63  }
0xd7: {  	s18 =	sadd.s32 s6, s13  }
0xd8: {  	[tilespmem:s22], [sflag:$0x1] =	stream.indirect.gather [hbm4b:s4+s21], $0x80, s21, s21, $0xb8;
	[tilespmem:$0x1F440] =	vst v63  }
0xd9: {  	s7 =	sadd.s32 s7, s18  }
0xda: {  	[tilespmem:s31], [sflag:$0x3] =	stream.linear.gather [hbm4b:s7+s3], $0x80, $0x38;
	[tilespmem:$0x1F440] =	vst v63  }
0xdb: {  	_ =	swait.ge [sflag:s20], $0x80  }
0xdc: {  	[sflag:s20] =	ssyncset.done $0x0  }
0xdd: {  	s9 =	sadd.s32 $0x30, s9;
	[sflag:s20] =	ssyncadd.s32 $0xFFFFFF80  }
0xde: {  	[tilespmem:s0], [sflag:$0x3] =	stream.linear.gather [hbm4b:s9+s3], $0x80, $0x38;
	[tilespmem:$0x1F440] =	vst v63  }
0xdf: {  	_ =	swait.ge [sflag:s20], $0x80  }
0xe0: {  	[sflag:s20] =	ssyncset.done $0x0  }
0xe1: {  	[sflag:s20] =	ssyncadd.s32 $0xFFFFFF80  }
0xe2: {  	_ =	swait.ge [sflag:s1], $0x4000  }
0xe3: {  	[sflag:s1] =	ssyncset.done $0x0  }
0xe4: {  	[sflag:s1] =	ssyncadd.s32 $0xFFFFC000  }
0xe5: {  	_ =	swait.ge [sflag:s1], $0x4000  }
0xe6: {  	[sflag:s1] =	ssyncset.done $0x0  }
0xe7: {  	[sflag:s1] =	ssyncadd.s32 $0xFFFFC000  }
0xe8: {  	[spmem:s2] =	stream.indirect.scatter.add.f32 [tilespmem:s24], [sflag:$0x3], $0x80, s31, s21, $0xb8;
	[tilespmem:$0x1F440] =	vst v63  }
0xe9: {  	_ =	swait.ge [sflag:s20], $0x4000  }
0xea: {  	[sflag:s20] =	ssyncset.done $0x0  }
0xeb: {  	[sflag:s20] =	ssyncadd.s32 $0xFFFFC000  }
0xec: {  	[spmem:s2] =	stream.indirect.scatter.add.f32 [tilespmem:s26], [sflag:$0x3], $0x80, s0, s21, $0xb8;
	[tilespmem:$0x1F440] =	vst v63  }
0xed: {  	_ =	swait.ge [sflag:s20], $0x4000  }
0xee: {  	[sflag:s20] =	ssyncset.done $0x0  }
0xef: {  	s11 =	rddreg [dreg:$0x7];
	[sflag:s20] =	ssyncadd.s32 $0xFFFFC000  }
0xf0: {  	[tilespmem:s23], [sflag:$0x3] =	stream.linear.gather [hbm4b:s11+s3], $0x100, $0x38;
	[tilespmem:$0x1F440] =	vst v63  }
0xf1: {  	_ =	swait.ge [sflag:s20], $0x100  }
0xf2: {  	[sflag:s20] =	ssyncset.done $0x0  }
0xf3: {  	[sflag:s20] =	ssyncadd.s32 $0xFFFFFF00  }
0xf4: {  	[tilespmem:s24], [sflag:$0x2] =	stream.indirect.gather [hbm4b:s4+s21], $0x80, s23, s21, $0xb8;
	[tilespmem:$0x1F440] =	vst v63  }
0xf5: {  	_ = 	snop  }
0xf6: {  	[tilespmem:s26], [sflag:$0x2] =	stream.indirect.gather [hbm4b:s4+s21], $0x80, s25, s21, $0xb8;
	[tilespmem:$0x1F440] =	vst v63  }
0xf7: {  	s12 =	rddreg [dreg:$0x8]  }
0xf8: {  	[tilespmem:s28], [sflag:$0x3] =	stream.linear.gather [hbm4b:s12+s3], $0x80, $0x38;
	[tilespmem:$0x1F440] =	vst v63  }
0xf9: {  	_ =	swait.ge [sflag:s20], $0x80  }
0xfa: {  	[sflag:s20] =	ssyncset.done $0x0  }
0xfb: {  	s13 =	rddreg [dreg:$0x9];
	[sflag:s20] =	ssyncadd.s32 $0xFFFFFF80  }
0xfc: {  	[tilespmem:s29], [sflag:$0x3] =	stream.linear.gather [hbm4b:s13+s3], $0x80, $0x38;
	[tilespmem:$0x1F440] =	vst v63  }
0xfd: {  	_ =	swait.ge [sflag:s20], $0x80  }
0xfe: {  	[sflag:s20] =	ssyncset.done $0x0  }
0xff: {  	[sflag:s20] =	ssyncadd.s32 $0xFFFFFF80  }
0x100: {  	_ =	swait.ge [sflag:s30], $0x4000  }
0x101: {  	[sflag:s30] =	ssyncset.done $0x0  }
0x102: {  	[sflag:s30] =	ssyncadd.s32 $0xFFFFC000  }
0x103: {  	_ =	swait.ge [sflag:s30], $0x4000  }
0x104: {  	[sflag:s30] =	ssyncset.done $0x0  }
0x105: {  	[sflag:s30] =	ssyncadd.s32 $0xFFFFC000  }
0x106: {  	[spmem:s2] =	stream.indirect.scatter.add.f32 [tilespmem:s19], [sflag:$0x3], $0x80, s28, s21, $0xb8;
	[tilespmem:$0x1F440] =	vst v63  }
0x107: {  	_ =	swait.ge [sflag:s20], $0x4000  }
0x108: {  	[sflag:s20] =	ssyncset.done $0x0  }
0x109: {  	[sflag:s20] =	ssyncadd.s32 $0xFFFFC000  }
0x10a: {  	[spmem:s2] =	stream.indirect.scatter.add.f32 [tilespmem:s22], [sflag:$0x3], $0x80, s29, s21, $0xb8;
	[tilespmem:$0x1F440] =	vst v63  }
0x10b: {  	_ =	swait.ge [sflag:s20], $0x4000  }
0x10c: {  	[sflag:s20] =	ssyncset.done $0x0  }
0x10d: {  	s14 =	rddreg [dreg:$0xa];
	[sflag:s20] =	ssyncadd.s32 $0xFFFFC000  }
0x10e: {  	[tilespmem:s31], [sflag:$0x3] =	stream.linear.gather [hbm4b:s14+s3], $0x80, $0x38;
	[tilespmem:$0x1F440] =	vst v63  }
0x10f: {  	_ =	swait.ge [sflag:s20], $0x80  }
0x110: {  	[sflag:s20] =	ssyncset.done $0x0  }
0x111: {  	s15 =	rddreg [dreg:$0xb];
	[sflag:s20] =	ssyncadd.s32 $0xFFFFFF80  }
0x112: {  	[tilespmem:s0], [sflag:$0x3] =	stream.linear.gather [hbm4b:s15+s3], $0x80, $0x38;
	[tilespmem:$0x1F440] =	vst v63  }
0x113: {  	_ =	swait.ge [sflag:s20], $0x80  }
0x114: {  	[sflag:s20] =	ssyncset.done $0x0  }
0x115: {  	[sflag:s20] =	ssyncadd.s32 $0xFFFFFF80  }
0x116: {  	_ =	swait.ge [sflag:s1], $0x4000  }
0x117: {  	[sflag:s1] =	ssyncset.done $0x0  }
0x118: {  	[sflag:s1] =	ssyncadd.s32 $0xFFFFC000  }
0x119: {  	_ =	swait.ge [sflag:s1], $0x4000  }
0x11a: {  	[sflag:s1] =	ssyncset.done $0x0  }
0x11b: {  	[sflag:s1] =	ssyncadd.s32 $0xFFFFC000  }
0x11c: {  	[spmem:s2] =	stream.indirect.scatter.add.f32 [tilespmem:s24], [sflag:$0x3], $0x80, s31, s21, $0xb8;
	[tilespmem:$0x1F440] =	vst v63  }
0x11d: {  	_ =	swait.ge [sflag:s20], $0x4000  }
0x11e: {  	[sflag:s20] =	ssyncset.done $0x0  }
0x11f: {  	[sflag:s20] =	ssyncadd.s32 $0xFFFFC000  }
0x120: {  	[spmem:s2] =	stream.indirect.scatter.add.f32 [tilespmem:s26], [sflag:$0x3], $0x80, s0, s21, $0xb8;
	[tilespmem:$0x1F440] =	vst v63  }
0x121: {  	_ =	swait.ge [sflag:s20], $0x4000  }
0x122: {  	[sflag:s20] =	ssyncset.done $0x0  }
0x123: {  	[sflag:s20] =	ssyncadd.s32 $0xFFFFC000  }
0x124: {  	[bflag:$0x0] =	sbarrier.arrive $0xFFFF  }
0x125: {  	s7 =	rddreg [dreg:$0x4]  }
0x126: {  	[tilespmem:s19], [sflag:$0x3] =	stream.linear.gather [spmem:s7], $0x7800, $0x38;
	[tilespmem:$0x1F440] =	vst v63  }
0x127: {  	_ =	swait.ge [sflag:s20], $0x7800  }
0x128: {  	[sflag:s20] =	ssyncset.done $0x0  }
0x129: {  	s16 =	rddreg [dreg:$0xc];
	[sflag:s20] =	ssyncadd.s32 $0xFFFF8800  }
0x12a: {  	[hbm4b:s16+s3] =	stream.linear.scatter [tilespmem:s19], [sflag:$0x3], $0x7800, $0x38;
	[tilespmem:$0x1F440] =	vst v63  }
0x12b: {  	_ =	swait.ge [sflag:s20], $0x7800  }
0x12c: {  	[sflag:s20] =	ssyncset.done $0x0  }
0x12d: {  	s9 =	rddreg [dreg:$0x5];
	[sflag:s20] =	ssyncadd.s32 $0xFFFF8800  }
0x12e: {  	[tilespmem:s19], [sflag:$0x3] =	stream.linear.gather [spmem:s9], $0x7800, $0x38;
	[tilespmem:$0x1F440] =	vst v63  }
0x12f: {  	_ =	swait.ge [sflag:s20], $0x7800  }
0x130: {  	[sflag:s20] =	ssyncset.done $0x0  }
0x131: {  	s17 =	rddreg [dreg:$0xd];
	[sflag:s20] =	ssyncadd.s32 $0xFFFF8800  }
0x132: {  	[hbm4b:s17+s3] =	stream.linear.scatter [tilespmem:s19], [sflag:$0x3], $0x7800, $0x38;
	[tilespmem:$0x1F440] =	vst v63  }
0x133: {  	_ =	swait.ge [sflag:s20], $0x7800  }
0x134: {  	s10 =	sadd.s32 $0x1, s10;
	s18 =	rddreg [dreg:$0xe]  }
0x135: {  	p0 =	sne.s32 s10, s18  }
.Ltmp2:
0x136: {  	_ = 	snop;
	(pc) =	sbr.rel @p0 .LBB2_1-.Ltmp2, $3  }
0x137: {  	_ =	sdelay $0x1  }
0x138: {  	[sflag:s20] =	ssyncset.done $0x0  }
0x139: {  	[sflag:s20] =	ssyncadd.s32 $0xFFFF8800  }
0x13a: {  	_ =	sfence.sel $0x180000  }
0x13b: {  	[bflag:$0x0] =	sbarrier.arrive $0xFFFF  }
0x13c: {  	_ =	strace $0x90000047  }
0x13d: {  	s0 =	stileid.u32;
	[bflag:$0x2] =	sbarrier.arrive $0xFFFF  }
0x13e: {  	p0 =	sne.s32 s0, $0x0;
	s0 =	rddreg [dreg:$0x2]  }
0x13f: {  	s0 =	sadd.s32 @!p0 $0x100000, s0  }
0x140: {  	[sflag:s0] =	ssyncadd.tile.s32 @!p0 $0x1;
	_ =	shalt  }
.Lfunc_end2:
_tile_overlayer_lowered:
.L_overlay_start_2:
0x141: {  	(tag) =	ssettag $0x2  }
0x142: {  	s0 =	rddreg [dreg:$0x0];
	s2 =	stileid.u32  }
0x143: {  	s1 =	rddreg [dreg:$0x1];
	p0 =	sne.s32 s2, $0x0  }
0x144: {  	s3 =	rddreg [dreg:$0x2];
	[bflag:$0x3] =	sbarrier.arrive $0xFFFF;
	s2 =	simm.s32 @!p0 $0x1C03  }
0x145: {  	[timem:s3], [sflag:s2] =	dma.local @!p0 [hbm:s0], s1  }
0x146: {  	s0 =	simm.s32 @!p0 $0x3  }
0x147: {  	_ =	swait.ge @!p0 [sflag:s0], s1  }
0x148: {  	s1 =	ssub.s32 @!p0 $0x0, s1;
	[sflag:s0] =	ssyncset.done @!p0 $0x0  }
0x149: {  	[sflag:s0] =	ssyncadd.s32 @!p0 s1  }
0x14a: {  	[bflag:$0x3] =	sbarrier.arrive $0xFFFF  }
0x14b: {  	_ =	shalt  }

</sc_bundles>
